<compile_context>
chip_gen: v7x
topology: tpu7x:2x2x1
jax: 0.10.2.dev20260603
libtpu: 0.0.44.dev20260713+nightly
codegen_flags: <defaults>
</compile_context>

<pallas_src>
import functools

import jax
import jax.numpy as jnp
from jax import lax
from jax.experimental import pallas as pl
from jax.experimental.pallas import tpu as pltpu
from jax.experimental.pallas import tpu_sc as plsc

_NT = 16384
_D = 211
_NE = 100
_EP = 104
_TBLK = 2048
_NW = 32
_CHUNK = _NT // _NW
_NG = _CHUNK // 16
_EH = 56


_SUB = _TBLK // _CHUNK


def _score_body(xt_ref, w_ref, b_ref, o_ref):
    w = jnp.concatenate(
        [w_ref[...], jnp.zeros((_EP - _NE, _D), jnp.float32)], axis=0)
    brow = jnp.concatenate(
        [b_ref[...], jnp.zeros((1, _EP - _NE), jnp.float32)], axis=1)
    b = lax.transpose(brow, (1, 0))
    for jj in range(_NT // _TBLK):
        logits = lax.dot_general(
            w, xt_ref[:, pl.ds(jj * _TBLK, _TBLK)],
            dimension_numbers=(((1,), (0,)), ((), ())),
            preferred_element_type=jnp.float32,
        )
        s = jax.nn.sigmoid(logits + b)
        for j in range(_TBLK // _CHUNK):
            o_ref[pl.ds(jj * (_TBLK // _CHUNK) + j, 1)] = (
                s[:, j * _CHUNK:(j + 1) * _CHUNK])[None]


def _scores_tc(xt, w_raw, b_raw):
    return pl.pallas_call(
        _score_body,
        in_specs=[
            pl.BlockSpec(memory_space=pltpu.VMEM),
            pl.BlockSpec(memory_space=pltpu.VMEM),
            pl.BlockSpec(memory_space=pltpu.VMEM),
        ],
        out_specs=pl.BlockSpec(memory_space=pltpu.VMEM),
        out_shape=jax.ShapeDtypeStruct((_NW, _EP, _CHUNK), jnp.float32),
    )(xt, w_raw, b_raw)


def _router_sc(scores_b):
    mesh = plsc.VectorSubcoreMesh(core_axis_name="c", subcore_axis_name="s")

    @functools.partial(
        pl.kernel,
        mesh=mesh,
        out_type=[
            jax.ShapeDtypeStruct((2, _NT), jnp.float32),
            jax.ShapeDtypeStruct((2, _NT), jnp.int32),
        ],
        scratch_types=[
            pltpu.VMEM((_EP, _CHUNK), jnp.float32),
            pltpu.VMEM((_CHUNK,), jnp.float32),
            pltpu.VMEM((_CHUNK,), jnp.float32),
            pltpu.VMEM((_CHUNK,), jnp.int32),
            pltpu.VMEM((_CHUNK,), jnp.int32),
            pltpu.SemaphoreType.DMA,
            pltpu.SemaphoreType.DMA,
        ],
    )
    def k(scores_hbm, w_hbm, i_hbm,
          sc_v, w1_v, w2_v, i1_v, i2_v, sem1, sem2):
        wid = lax.axis_index("c") * 16 + lax.axis_index("s")
        base = wid * _CHUNK
        cp1 = pltpu.async_copy(
            scores_hbm.at[wid, pl.ds(0, _EH)], sc_v.at[pl.ds(0, _EH)], sem1)
        cp2 = pltpu.async_copy(
            scores_hbm.at[wid, pl.ds(_EH, _EP - _EH)],
            sc_v.at[pl.ds(_EH, _EP - _EH)], sem2)
        cp1.wait()

        def make_pass(e_lo, e_hi, first):
            def body(g, carry):
                offs = tuple(g * 64 + 16 * t for t in range(4))

                def estep(eo, st):
                    for k in range(4):
                        e = e_lo + eo * 4 + k
                        col = jnp.full((16,), 1, jnp.int32) * e
                        nst = []
                        for off, (m1, m2, i1, i2) in zip(offs, st):
                            v = sc_v[pl.ds(e, 1), pl.ds(off, 16)].reshape(16)
                            gt1 = v > m1
                            gt2 = v > m2
                            m2 = jnp.where(gt1, m1, jnp.where(gt2, v, m2))
                            i2 = jnp.where(gt1, i1, jnp.where(gt2, col, i2))
                            m1 = jnp.where(gt1, v, m1)
                            i1 = jnp.where(gt1, col, i1)
                            nst.append((m1, m2, i1, i2))
                        st = tuple(nst)
                    return st

                if first:
                    init1 = (jnp.full((16,), -jnp.inf, jnp.float32),
                             jnp.full((16,), -jnp.inf, jnp.float32),
                             jnp.zeros((16,), jnp.int32),
                             jnp.zeros((16,), jnp.int32))
                    init = (init1,) * 4
                else:
                    init = tuple(
                        (w1_v[pl.ds(off, 16)], w2_v[pl.ds(off, 16)],
                         i1_v[pl.ds(off, 16)], i2_v[pl.ds(off, 16)])
                        for off in offs)
                sts = lax.fori_loop(0, (e_hi - e_lo) // 4, estep, init)
                for off, (m1, m2, i1, i2) in zip(offs, sts):
                    if first:
                        w1_v[pl.ds(off, 16)] = m1
                        w2_v[pl.ds(off, 16)] = m2
                    else:
                        s = m1 + m2
                        w1_v[pl.ds(off, 16)] = m1 / s
                        w2_v[pl.ds(off, 16)] = m2 / s
                    i1_v[pl.ds(off, 16)] = i1
                    i2_v[pl.ds(off, 16)] = i2
                return carry
            return body

        lax.fori_loop(0, _NG // 4, make_pass(0, _EH, True), 0)
        cp2.wait()
        lax.fori_loop(0, _NG // 4, make_pass(_EH, _NE, False), 0)
        pltpu.sync_copy(w1_v, w_hbm.at[0, pl.ds(base, _CHUNK)])
        pltpu.sync_copy(w2_v, w_hbm.at[1, pl.ds(base, _CHUNK)])
        pltpu.sync_copy(i1_v, i_hbm.at[0, pl.ds(base, _CHUNK)])
        pltpu.sync_copy(i2_v, i_hbm.at[1, pl.ds(base, _CHUNK)])

    return k(scores_b)


def kernel(x, W, b):
    scores_t = _scores_tc(x.T, W, b.reshape(1, _NE))
    w_pair, i_pair = _router_sc(scores_t)
    return w_pair.T.astype(x.dtype), i_pair.T

# --- scband reference (transcript-rebuilt; emitter-appended) ---
"""Pipeline reference for scband-gate-77884936946279 (READ-ONLY COPY).

The authoritative reference and input builder live on the scoring server;
editing this copy changes nothing except your own understanding.
"""

import jax, jax.numpy as jnp
import numpy as np

N_TOKENS = 16384
DIM = 211
N_EXPERTS = 100
TOPK = 2
ROUTE_SCALE = 1.0


def setup_inputs(seed: int = 0) -> dict:
    key = jax.random.key(seed)
    k1, k2, k3 = jax.random.split(key, 3)
    x = jax.random.normal(k1, (N_TOKENS, DIM), dtype=jnp.float32)
    # nn.Linear(dim, n_routed_experts): weight [E, D], bias [E]
    bound = 1.0 / np.sqrt(DIM)
    W = jax.random.uniform(k2, (N_EXPERTS, DIM), dtype=jnp.float32, minval=-bound, maxval=bound)
    b = jax.random.uniform(k3, (N_EXPERTS,), dtype=jnp.float32, minval=-bound, maxval=bound)
    return {"x": x, "W": W, "b": b}


def reference(x, W, b):
    # scores = self.gate_weights(x)
    logits = x @ W.T + b
    # score_func == 'sigmoid'
    original_scores = jax.nn.sigmoid(logits)
    # training load-balancing divides by expert_percentages buffer, which is
    # initialized to ones -> balanced_scores == original_scores
    scores = original_scores
    # bias is None (dim != 7168); n_groups == 1 so group routing is skipped
    # indices = torch.topk(scores, self.topk, dim=-1)[1]
    _, indices = jax.lax.top_k(scores, TOPK)
    # weights = original_scores.gather(1, indices)
    weights = jnp.take_along_axis(original_scores, indices, axis=1)
    # sigmoid path: normalize selected weights
    weights = weights / jnp.sum(weights, axis=-1, keepdims=True)
    weights = weights * ROUTE_SCALE
    return weights.astype(x.dtype), indices

if __name__ == "__main__":
    import jax
    _d = setup_inputs()
    print(jax.jit(kernel)(*tuple(_d.values())))

</pallas_src>

<mosaic_0001>
#map = affine_map<(d0, d1) -> (0, 0, 0)>
#map1 = affine_map<(d0, d1) -> (0, 0)>
module attributes {stable_mosaic.version = 14 : i64} {
  func.func @k(%arg0: i32, %arg1: i32, %arg2: memref<32x104x512xf32, #tpu.memory_space<hbm>>, %arg3: memref<2x16384xf32, #tpu.memory_space<hbm>>, %arg4: memref<2x16384xi32, #tpu.memory_space<hbm>>, %arg5: memref<104x512xf32, #tpu.memory_space<vmem>>, %arg6: memref<512xf32, #tpu.memory_space<vmem>>, %arg7: memref<512xf32, #tpu.memory_space<vmem>>, %arg8: memref<512xi32, #tpu.memory_space<vmem>>, %arg9: memref<512xi32, #tpu.memory_space<vmem>>, %arg10: memref<!tpu.dma_semaphore, #tpu.memory_space<semaphore_mem>>, %arg11: memref<!tpu.dma_semaphore, #tpu.memory_space<semaphore_mem>>) attributes {dimension_semantics = [#tpu.dimension_semantics<core_parallel>, #tpu.dimension_semantics<subcore_parallel>], iteration_bounds = array<i64: 2, 16>, scalar_prefetch = 0 : i64, scratch_operands = 7 : i64, tpu.core_type = #tpu.core_type<sc_vector_subcore>, window_params = [{transform_indices = #map}, {transform_indices = #map1}, {transform_indices = #map1}]} {
    %mul3A = arith.constant 16 : i32
    %mul3A_0 = arith.muli %arg0, %mul3A : i32
    %add3A = arith.addi %mul3A_0, %arg1 : i32
    %mul3A_1 = arith.constant 512 : i32
    %mul3A_2 = arith.muli %add3A, %mul3A_1 : i32
    %dma_start3A = arith.constant 0 : i32
    %dma_start3A_3 = arith.constant 0 : i32
    %dma_start3A_4 = tpu.memref_slice %arg5[%dma_start3A, %dma_start3A_3] : memref<104x512xf32, #tpu.memory_space<vmem>> -> memref<56x512xf32, #tpu.memory_space<vmem>>
    %dma_start3A_5 = arith.constant 0 : i32
    %dma_start3A_6 = arith.constant 0 : i32
    %dma_start3A_7 = tpu.memref_slice %arg2[%add3A, %dma_start3A_5, %dma_start3A_6] : memref<32x104x512xf32, #tpu.memory_space<hbm>> -> memref<1x56x512xf32, #tpu.memory_space<hbm>>
    %dma_start3A_8 = tpu.memref_squeeze %dma_start3A_7 : memref<1x56x512xf32, #tpu.memory_space<hbm>> -> memref<56x512xf32, #tpu.memory_space<hbm>>
    %dma_start3A_9 = arith.constant 0 : i32
    %dma_start3A_10 = arith.constant 0 : i32
    %dma_start3A_11 = tpu.memref_slice %arg5[%dma_start3A_9, %dma_start3A_10] : memref<104x512xf32, #tpu.memory_space<vmem>> -> memref<56x512xf32, #tpu.memory_space<vmem>>
    %dma_start3A_12 = arith.constant 0 : i32
    %dma_start3A_13 = arith.constant 0 : i32
    %dma_start3A_14 = tpu.memref_slice %arg2[%add3A, %dma_start3A_12, %dma_start3A_13] : memref<32x104x512xf32, #tpu.memory_space<hbm>> -> memref<1x56x512xf32, #tpu.memory_space<hbm>>
    %dma_start3A_15 = tpu.memref_squeeze %dma_start3A_14 : memref<1x56x512xf32, #tpu.memory_space<hbm>> -> memref<56x512xf32, #tpu.memory_space<hbm>>
    tpu.enqueue_dma source(%dma_start3A_15 : memref<56x512xf32, #tpu.memory_space<hbm>>) target(%dma_start3A_11 : memref<56x512xf32, #tpu.memory_space<vmem>>) target_semaphore(%arg10 : memref<!tpu.dma_semaphore, #tpu.memory_space<semaphore_mem>>)
    %dma_start3A_16 = arith.constant 56 : i32
    %dma_start3A_17 = arith.constant 0 : i32
    %dma_start3A_18 = tpu.memref_slice %arg5[%dma_start3A_16, %dma_start3A_17] : memref<104x512xf32, #tpu.memory_space<vmem>> -> memref<48x512xf32, #tpu.memory_space<vmem>>
    %dma_start3A_19 = arith.constant 56 : i32
    %dma_start3A_20 = arith.constant 0 : i32
    %dma_start3A_21 = tpu.memref_slice %arg2[%add3A, %dma_start3A_19, %dma_start3A_20] : memref<32x104x512xf32, #tpu.memory_space<hbm>> -> memref<1x48x512xf32, #tpu.memory_space<hbm>>
    %dma_start3A_22 = tpu.memref_squeeze %dma_start3A_21 : memref<1x48x512xf32, #tpu.memory_space<hbm>> -> memref<48x512xf32, #tpu.memory_space<hbm>>
    %dma_start3A_23 = arith.constant 56 : i32
    %dma_start3A_24 = arith.constant 0 : i32
    %dma_start3A_25 = tpu.memref_slice %arg5[%dma_start3A_23, %dma_start3A_24] : memref<104x512xf32, #tpu.memory_space<vmem>> -> memref<48x512xf32, #tpu.memory_space<vmem>>
    %dma_start3A_26 = arith.constant 56 : i32
    %dma_start3A_27 = arith.constant 0 : i32
    %dma_start3A_28 = tpu.memref_slice %arg2[%add3A, %dma_start3A_26, %dma_start3A_27] : memref<32x104x512xf32, #tpu.memory_space<hbm>> -> memref<1x48x512xf32, #tpu.memory_space<hbm>>
    %dma_start3A_29 = tpu.memref_squeeze %dma_start3A_28 : memref<1x48x512xf32, #tpu.memory_space<hbm>> -> memref<48x512xf32, #tpu.memory_space<hbm>>
    tpu.enqueue_dma source(%dma_start3A_29 : memref<48x512xf32, #tpu.memory_space<hbm>>) target(%dma_start3A_25 : memref<48x512xf32, #tpu.memory_space<vmem>>) target_semaphore(%arg11 : memref<!tpu.dma_semaphore, #tpu.memory_space<semaphore_mem>>)
    %dma_wait3A = arith.constant 0 : i32
    %dma_wait3A_30 = arith.constant 0 : i32
    %dma_wait3A_31 = tpu.memref_slice %arg5[%dma_wait3A, %dma_wait3A_30] : memref<104x512xf32, #tpu.memory_space<vmem>> -> memref<56x512xf32, #tpu.memory_space<vmem>>
    %dma_wait3A_32 = arith.constant 0 : i32
    %dma_wait3A_33 = arith.constant 0 : i32
    %dma_wait3A_34 = tpu.memref_slice %arg2[%add3A, %dma_wait3A_32, %dma_wait3A_33] : memref<32x104x512xf32, #tpu.memory_space<hbm>> -> memref<1x56x512xf32, #tpu.memory_space<hbm>>
    %dma_wait3A_35 = tpu.memref_squeeze %dma_wait3A_34 : memref<1x56x512xf32, #tpu.memory_space<hbm>> -> memref<56x512xf32, #tpu.memory_space<hbm>>
    %dma_wait3A_36 = arith.constant 0 : i32
    %dma_wait3A_37 = arith.constant 0 : i32
    %dma_wait3A_38 = tpu.memref_slice %arg5[%dma_wait3A_36, %dma_wait3A_37] : memref<104x512xf32, #tpu.memory_space<vmem>> -> memref<56x512xf32, #tpu.memory_space<vmem>>
    %dma_wait3A_39 = arith.constant 0 : i32
    %dma_wait3A_40 = arith.constant 0 : i32
    %dma_wait3A_41 = tpu.memref_slice %arg2[%add3A, %dma_wait3A_39, %dma_wait3A_40] : memref<32x104x512xf32, #tpu.memory_space<hbm>> -> memref<1x56x512xf32, #tpu.memory_space<hbm>>
    %dma_wait3A_42 = tpu.memref_squeeze %dma_wait3A_41 : memref<1x56x512xf32, #tpu.memory_space<hbm>> -> memref<56x512xf32, #tpu.memory_space<hbm>>
    tpu.wait_dma2 semaphore(%arg10 : memref<!tpu.dma_semaphore, #tpu.memory_space<semaphore_mem>>) src(%dma_wait3A_42 : memref<56x512xf32, #tpu.memory_space<hbm>>) dst(%dma_wait3A_38 : memref<56x512xf32, #tpu.memory_space<vmem>>)
    %scan3A = arith.constant 0 : i32
    %scan3A_43 = arith.constant 0 : i32
    %scan3A_44 = arith.constant 8 : i32
    %scan3A_45 = arith.addi %scan3A_43, %scan3A_44 : i32
    %scan3A_46 = arith.constant 1 : i32
    scf.for %scan3A_71 = %scan3A_43 to %scan3A_45 step %scan3A_46  : i32 {
      %mul3A_72 = arith.constant 64 : i32
      %mul3A_73 = arith.muli %scan3A_71, %mul3A_72 : i32
      %add3A_74 = arith.constant 0 : i32
      %add3A_75 = arith.addi %mul3A_73, %add3A_74 : i32
      %mul3A_76 = arith.constant 64 : i32
      %mul3A_77 = arith.muli %scan3A_71, %mul3A_76 : i32
      %add3A_78 = arith.constant 16 : i32
      %add3A_79 = arith.addi %mul3A_77, %add3A_78 : i32
      %mul3A_80 = arith.constant 64 : i32
      %mul3A_81 = arith.muli %scan3A_71, %mul3A_80 : i32
      %add3A_82 = arith.constant 32 : i32
      %add3A_83 = arith.addi %mul3A_81, %add3A_82 : i32
      %mul3A_84 = arith.constant 64 : i32
      %mul3A_85 = arith.muli %scan3A_71, %mul3A_84 : i32
      %add3A_86 = arith.constant 48 : i32
      %add3A_87 = arith.addi %mul3A_85, %add3A_86 : i32
      %broadcast_in_dim3A = arith.constant 0xFF800000 : f32
      %broadcast_in_dim3A_88 = vector.broadcast %broadcast_in_dim3A : f32 to vector<16xf32>
      %broadcast_in_dim3A_89 = arith.constant 0xFF800000 : f32
      %broadcast_in_dim3A_90 = vector.broadcast %broadcast_in_dim3A_89 : f32 to vector<16xf32>
      %broadcast_in_dim3A_91 = arith.constant 0 : i32
      %broadcast_in_dim3A_92 = vector.broadcast %broadcast_in_dim3A_91 : i32 to vector<16xi32>
      %broadcast_in_dim3A_93 = arith.constant 0 : i32
      %broadcast_in_dim3A_94 = vector.broadcast %broadcast_in_dim3A_93 : i32 to vector<16xi32>
      %scan3A_95 = arith.constant 0 : i32
      %scan3A_96 = arith.constant 14 : i32
      %scan3A_97 = arith.addi %scan3A_95, %scan3A_96 : i32
      %scan3A_98 = arith.constant 1 : i32
      %scan3A_99:16 = scf.for %scan3A_164 = %scan3A_95 to %scan3A_97 step %scan3A_98 iter_args(%scan3A_165 = %broadcast_in_dim3A_88, %scan3A_166 = %broadcast_in_dim3A_90, %scan3A_167 = %broadcast_in_dim3A_92, %scan3A_168 = %broadcast_in_dim3A_94, %scan3A_169 = %broadcast_in_dim3A_88, %scan3A_170 = %broadcast_in_dim3A_90, %scan3A_171 = %broadcast_in_dim3A_92, %scan3A_172 = %broadcast_in_dim3A_94, %scan3A_173 = %broadcast_in_dim3A_88, %scan3A_174 = %broadcast_in_dim3A_90, %scan3A_175 = %broadcast_in_dim3A_92, %scan3A_176 = %broadcast_in_dim3A_94, %scan3A_177 = %broadcast_in_dim3A_88, %scan3A_178 = %broadcast_in_dim3A_90, %scan3A_179 = %broadcast_in_dim3A_92, %scan3A_180 = %broadcast_in_dim3A_94) -> (vector<16xf32>, vector<16xf32>, vector<16xi32>, vector<16xi32>, vector<16xf32>, vector<16xf32>, vector<16xi32>, vector<16xi32>, vector<16xf32>, vector<16xf32>, vector<16xi32>, vector<16xi32>, vector<16xf32>, vector<16xf32>, vector<16xi32>, vector<16xi32>)  : i32 {
        %mul3A_181 = arith.constant 4 : i32
        %mul3A_182 = arith.muli %scan3A_164, %mul3A_181 : i32
        %add3A_183 = arith.constant 0 : i32
        %add3A_184 = arith.addi %add3A_183, %mul3A_182 : i32
        %add3A_185 = arith.constant 0 : i32
        %add3A_186 = arith.addi %add3A_184, %add3A_185 : i32
        %broadcast_in_dim3A_187 = arith.constant 1 : i32
        %broadcast_in_dim3A_188 = vector.broadcast %broadcast_in_dim3A_187 : i32 to vector<16xi32>
        %mul3A_189 = vector.broadcast %add3A_186 : i32 to vector<16xi32>
        %mul3A_190 = arith.muli %broadcast_in_dim3A_188, %mul3A_189 : vector<16xi32>
        %get3A = arith.index_cast %add3A_186 : i32 to index
        %get3A_191 = arith.index_cast %add3A_75 : i32 to index
        %get3A_192 = tpu.vector_load %arg5[%get3A, %get3A_191] {strides = array<i32>} : memref<104x512xf32, #tpu.memory_space<vmem>>, vector<1x16xf32>,
        %get3A_193 = vector.shape_cast %get3A_192 : vector<1x16xf32> to vector<1x16xf32>
        %reshape3A = vector.shape_cast %get3A_193 : vector<1x16xf32> to vector<16xf32>
        %gt3A = arith.cmpf ogt, %reshape3A, %scan3A_165 : vector<16xf32>
        %gt3A_194 = arith.cmpf ogt, %reshape3A, %scan3A_166 : vector<16xf32>
        %select_n3A = arith.select %gt3A_194, %reshape3A, %scan3A_166 : vector<16xi1>, vector<16xf32>
        %select_n3A_195 = arith.select %gt3A, %scan3A_165, %select_n3A : vector<16xi1>, vector<16xf32>
        %select_n3A_196 = arith.select %gt3A_194, %mul3A_190, %scan3A_168 : vector<16xi1>, vector<16xi32>
        %select_n3A_197 = arith.select %gt3A, %scan3A_167, %select_n3A_196 : vector<16xi1>, vector<16xi32>
        %select_n3A_198 = arith.select %gt3A, %reshape3A, %scan3A_165 : vector<16xi1>, vector<16xf32>
        %select_n3A_199 = arith.select %gt3A, %mul3A_190, %scan3A_167 : vector<16xi1>, vector<16xi32>
        %get3A_200 = arith.index_cast %add3A_186 : i32 to index
        %get3A_201 = arith.index_cast %add3A_79 : i32 to index
        %get3A_202 = tpu.vector_load %arg5[%get3A_200, %get3A_201] {strides = array<i32>} : memref<104x512xf32, #tpu.memory_space<vmem>>, vector<1x16xf32>,
        %get3A_203 = vector.shape_cast %get3A_202 : vector<1x16xf32> to vector<1x16xf32>
        %reshape3A_204 = vector.shape_cast %get3A_203 : vector<1x16xf32> to vector<16xf32>
        %gt3A_205 = arith.cmpf ogt, %reshape3A_204, %scan3A_169 : vector<16xf32>
        %gt3A_206 = arith.cmpf ogt, %reshape3A_204, %scan3A_170 : vector<16xf32>
        %select_n3A_207 = arith.select %gt3A_206, %reshape3A_204, %scan3A_170 : vector<16xi1>, vector<16xf32>
        %select_n3A_208 = arith.select %gt3A_205, %scan3A_169, %select_n3A_207 : vector<16xi1>, vector<16xf32>
        %select_n3A_209 = arith.select %gt3A_206, %mul3A_190, %scan3A_172 : vector<16xi1>, vector<16xi32>
        %select_n3A_210 = arith.select %gt3A_205, %scan3A_171, %select_n3A_209 : vector<16xi1>, vector<16xi32>
        %select_n3A_211 = arith.select %gt3A_205, %reshape3A_204, %scan3A_169 : vector<16xi1>, vector<16xf32>
        %select_n3A_212 = arith.select %gt3A_205, %mul3A_190, %scan3A_171 : vector<16xi1>, vector<16xi32>
        %get3A_213 = arith.index_cast %add3A_186 : i32 to index
        %get3A_214 = arith.index_cast %add3A_83 : i32 to index
        %get3A_215 = tpu.vector_load %arg5[%get3A_213, %get3A_214] {strides = array<i32>} : memref<104x512xf32, #tpu.memory_space<vmem>>, vector<1x16xf32>,
        %get3A_216 = vector.shape_cast %get3A_215 : vector<1x16xf32> to vector<1x16xf32>
        %reshape3A_217 = vector.shape_cast %get3A_216 : vector<1x16xf32> to vector<16xf32>
        %gt3A_218 = arith.cmpf ogt, %reshape3A_217, %scan3A_173 : vector<16xf32>
        %gt3A_219 = arith.cmpf ogt, %reshape3A_217, %scan3A_174 : vector<16xf32>
        %select_n3A_220 = arith.select %gt3A_219, %reshape3A_217, %scan3A_174 : vector<16xi1>, vector<16xf32>
        %select_n3A_221 = arith.select %gt3A_218, %scan3A_173, %select_n3A_220 : vector<16xi1>, vector<16xf32>
        %select_n3A_222 = arith.select %gt3A_219, %mul3A_190, %scan3A_176 : vector<16xi1>, vector<16xi32>
        %select_n3A_223 = arith.select %gt3A_218, %scan3A_175, %select_n3A_222 : vector<16xi1>, vector<16xi32>
        %select_n3A_224 = arith.select %gt3A_218, %reshape3A_217, %scan3A_173 : vector<16xi1>, vector<16xf32>
        %select_n3A_225 = arith.select %gt3A_218, %mul3A_190, %scan3A_175 : vector<16xi1>, vector<16xi32>
        %get3A_226 = arith.index_cast %add3A_186 : i32 to index
        %get3A_227 = arith.index_cast %add3A_87 : i32 to index
        %get3A_228 = tpu.vector_load %arg5[%get3A_226, %get3A_227] {strides = array<i32>} : memref<104x512xf32, #tpu.memory_space<vmem>>, vector<1x16xf32>,
        %get3A_229 = vector.shape_cast %get3A_228 : vector<1x16xf32> to vector<1x16xf32>
        %reshape3A_230 = vector.shape_cast %get3A_229 : vector<1x16xf32> to vector<16xf32>
        %gt3A_231 = arith.cmpf ogt, %reshape3A_230, %scan3A_177 : vector<16xf32>
        %gt3A_232 = arith.cmpf ogt, %reshape3A_230, %scan3A_178 : vector<16xf32>
        %select_n3A_233 = arith.select %gt3A_232, %reshape3A_230, %scan3A_178 : vector<16xi1>, vector<16xf32>
        %select_n3A_234 = arith.select %gt3A_231, %scan3A_177, %select_n3A_233 : vector<16xi1>, vector<16xf32>
        %select_n3A_235 = arith.select %gt3A_232, %mul3A_190, %scan3A_180 : vector<16xi1>, vector<16xi32>
        %select_n3A_236 = arith.select %gt3A_231, %scan3A_179, %select_n3A_235 : vector<16xi1>, vector<16xi32>
        %select_n3A_237 = arith.select %gt3A_231, %reshape3A_230, %scan3A_177 : vector<16xi1>, vector<16xf32>
        %select_n3A_238 = arith.select %gt3A_231, %mul3A_190, %scan3A_179 : vector<16xi1>, vector<16xi32>
        %mul3A_239 = arith.constant 4 : i32
        %mul3A_240 = arith.muli %scan3A_164, %mul3A_239 : i32
        %add3A_241 = arith.constant 0 : i32
        %add3A_242 = arith.addi %add3A_241, %mul3A_240 : i32
        %add3A_243 = arith.constant 1 : i32
        %add3A_244 = arith.addi %add3A_242, %add3A_243 : i32
        %broadcast_in_dim3A_245 = arith.constant 1 : i32
        %broadcast_in_dim3A_246 = vector.broadcast %broadcast_in_dim3A_245 : i32 to vector<16xi32>
        %mul3A_247 = vector.broadcast %add3A_244 : i32 to vector<16xi32>
        %mul3A_248 = arith.muli %broadcast_in_dim3A_246, %mul3A_247 : vector<16xi32>
        %get3A_249 = arith.index_cast %add3A_244 : i32 to index
        %get3A_250 = arith.index_cast %add3A_75 : i32 to index
        %get3A_251 = tpu.vector_load %arg5[%get3A_249, %get3A_250] {strides = array<i32>} : memref<104x512xf32, #tpu.memory_space<vmem>>, vector<1x16xf32>,
        %get3A_252 = vector.shape_cast %get3A_251 : vector<1x16xf32> to vector<1x16xf32>
        %reshape3A_253 = vector.shape_cast %get3A_252 : vector<1x16xf32> to vector<16xf32>
        %gt3A_254 = arith.cmpf ogt, %reshape3A_253, %select_n3A_198 : vector<16xf32>
        %gt3A_255 = arith.cmpf ogt, %reshape3A_253, %select_n3A_195 : vector<16xf32>
        %select_n3A_256 = arith.select %gt3A_255, %reshape3A_253, %select_n3A_195 : vector<16xi1>, vector<16xf32>
        %select_n3A_257 = arith.select %gt3A_254, %select_n3A_198, %select_n3A_256 : vector<16xi1>, vector<16xf32>
        %select_n3A_258 = arith.select %gt3A_255, %mul3A_248, %select_n3A_197 : vector<16xi1>, vector<16xi32>
        %select_n3A_259 = arith.select %gt3A_254, %select_n3A_199, %select_n3A_258 : vector<16xi1>, vector<16xi32>
        %select_n3A_260 = arith.select %gt3A_254, %reshape3A_253, %select_n3A_198 : vector<16xi1>, vector<16xf32>
        %select_n3A_261 = arith.select %gt3A_254, %mul3A_248, %select_n3A_199 : vector<16xi1>, vector<16xi32>
        %get3A_262 = arith.index_cast %add3A_244 : i32 to index
        %get3A_263 = arith.index_cast %add3A_79 : i32 to index
        %get3A_264 = tpu.vector_load %arg5[%get3A_262, %get3A_263] {strides = array<i32>} : memref<104x512xf32, #tpu.memory_space<vmem>>, vector<1x16xf32>,
        %get3A_265 = vector.shape_cast %get3A_264 : vector<1x16xf32> to vector<1x16xf32>
        %reshape3A_266 = vector.shape_cast %get3A_265 : vector<1x16xf32> to vector<16xf32>
        %gt3A_267 = arith.cmpf ogt, %reshape3A_266, %select_n3A_211 : vector<16xf32>
        %gt3A_268 = arith.cmpf ogt, %reshape3A_266, %select_n3A_208 : vector<16xf32>
        %select_n3A_269 = arith.select %gt3A_268, %reshape3A_266, %select_n3A_208 : vector<16xi1>, vector<16xf32>
        %select_n3A_270 = arith.select %gt3A_267, %select_n3A_211, %select_n3A_269 : vector<16xi1>, vector<16xf32>
        %select_n3A_271 = arith.select %gt3A_268, %mul3A_248, %select_n3A_210 : vector<16xi1>, vector<16xi32>
        %select_n3A_272 = arith.select %gt3A_267, %select_n3A_212, %select_n3A_271 : vector<16xi1>, vector<16xi32>
        %select_n3A_273 = arith.select %gt3A_267, %reshape3A_266, %select_n3A_211 : vector<16xi1>, vector<16xf32>
        %select_n3A_274 = arith.select %gt3A_267, %mul3A_248, %select_n3A_212 : vector<16xi1>, vector<16xi32>
        %get3A_275 = arith.index_cast %add3A_244 : i32 to index
        %get3A_276 = arith.index_cast %add3A_83 : i32 to index
        %get3A_277 = tpu.vector_load %arg5[%get3A_275, %get3A_276] {strides = array<i32>} : memref<104x512xf32, #tpu.memory_space<vmem>>, vector<1x16xf32>,
        %get3A_278 = vector.shape_cast %get3A_277 : vector<1x16xf32> to vector<1x16xf32>
        %reshape3A_279 = vector.shape_cast %get3A_278 : vector<1x16xf32> to vector<16xf32>
        %gt3A_280 = arith.cmpf ogt, %reshape3A_279, %select_n3A_224 : vector<16xf32>
        %gt3A_281 = arith.cmpf ogt, %reshape3A_279, %select_n3A_221 : vector<16xf32>
        %select_n3A_282 = arith.select %gt3A_281, %reshape3A_279, %select_n3A_221 : vector<16xi1>, vector<16xf32>
        %select_n3A_283 = arith.select %gt3A_280, %select_n3A_224, %select_n3A_282 : vector<16xi1>, vector<16xf32>
        %select_n3A_284 = arith.select %gt3A_281, %mul3A_248, %select_n3A_223 : vector<16xi1>, vector<16xi32>
        %select_n3A_285 = arith.select %gt3A_280, %select_n3A_225, %select_n3A_284 : vector<16xi1>, vector<16xi32>
        %select_n3A_286 = arith.select %gt3A_280, %reshape3A_279, %select_n3A_224 : vector<16xi1>, vector<16xf32>
        %select_n3A_287 = arith.select %gt3A_280, %mul3A_248, %select_n3A_225 : vector<16xi1>, vector<16xi32>
        %get3A_288 = arith.index_cast %add3A_244 : i32 to index
        %get3A_289 = arith.index_cast %add3A_87 : i32 to index
        %get3A_290 = tpu.vector_load %arg5[%get3A_288, %get3A_289] {strides = array<i32>} : memref<104x512xf32, #tpu.memory_space<vmem>>, vector<1x16xf32>,
        %get3A_291 = vector.shape_cast %get3A_290 : vector<1x16xf32> to vector<1x16xf32>
        %reshape3A_292 = vector.shape_cast %get3A_291 : vector<1x16xf32> to vector<16xf32>
        %gt3A_293 = arith.cmpf ogt, %reshape3A_292, %select_n3A_237 : vector<16xf32>
        %gt3A_294 = arith.cmpf ogt, %reshape3A_292, %select_n3A_234 : vector<16xf32>
        %select_n3A_295 = arith.select %gt3A_294, %reshape3A_292, %select_n3A_234 : vector<16xi1>, vector<16xf32>
        %select_n3A_296 = arith.select %gt3A_293, %select_n3A_237, %select_n3A_295 : vector<16xi1>, vector<16xf32>
        %select_n3A_297 = arith.select %gt3A_294, %mul3A_248, %select_n3A_236 : vector<16xi1>, vector<16xi32>
        %select_n3A_298 = arith.select %gt3A_293, %select_n3A_238, %select_n3A_297 : vector<16xi1>, vector<16xi32>
        %select_n3A_299 = arith.select %gt3A_293, %reshape3A_292, %select_n3A_237 : vector<16xi1>, vector<16xf32>
        %select_n3A_300 = arith.select %gt3A_293, %mul3A_248, %select_n3A_238 : vector<16xi1>, vector<16xi32>
        %mul3A_301 = arith.constant 4 : i32
        %mul3A_302 = arith.muli %scan3A_164, %mul3A_301 : i32
        %add3A_303 = arith.constant 0 : i32
        %add3A_304 = arith.addi %add3A_303, %mul3A_302 : i32
        %add3A_305 = arith.constant 2 : i32
        %add3A_306 = arith.addi %add3A_304, %add3A_305 : i32
        %broadcast_in_dim3A_307 = arith.constant 1 : i32
        %broadcast_in_dim3A_308 = vector.broadcast %broadcast_in_dim3A_307 : i32 to vector<16xi32>
        %mul3A_309 = vector.broadcast %add3A_306 : i32 to vector<16xi32>
        %mul3A_310 = arith.muli %broadcast_in_dim3A_308, %mul3A_309 : vector<16xi32>
        %get3A_311 = arith.index_cast %add3A_306 : i32 to index
        %get3A_312 = arith.index_cast %add3A_75 : i32 to index
        %get3A_313 = tpu.vector_load %arg5[%get3A_311, %get3A_312] {strides = array<i32>} : memref<104x512xf32, #tpu.memory_space<vmem>>, vector<1x16xf32>,
        %get3A_314 = vector.shape_cast %get3A_313 : vector<1x16xf32> to vector<1x16xf32>
        %reshape3A_315 = vector.shape_cast %get3A_314 : vector<1x16xf32> to vector<16xf32>
        %gt3A_316 = arith.cmpf ogt, %reshape3A_315, %select_n3A_260 : vector<16xf32>
        %gt3A_317 = arith.cmpf ogt, %reshape3A_315, %select_n3A_257 : vector<16xf32>
        %select_n3A_318 = arith.select %gt3A_317, %reshape3A_315, %select_n3A_257 : vector<16xi1>, vector<16xf32>
        %select_n3A_319 = arith.select %gt3A_316, %select_n3A_260, %select_n3A_318 : vector<16xi1>, vector<16xf32>
        %select_n3A_320 = arith.select %gt3A_317, %mul3A_310, %select_n3A_259 : vector<16xi1>, vector<16xi32>
        %select_n3A_321 = arith.select %gt3A_316, %select_n3A_261, %select_n3A_320 : vector<16xi1>, vector<16xi32>
        %select_n3A_322 = arith.select %gt3A_316, %reshape3A_315, %select_n3A_260 : vector<16xi1>, vector<16xf32>
        %select_n3A_323 = arith.select %gt3A_316, %mul3A_310, %select_n3A_261 : vector<16xi1>, vector<16xi32>
        %get3A_324 = arith.index_cast %add3A_306 : i32 to index
        %get3A_325 = arith.index_cast %add3A_79 : i32 to index
        %get3A_326 = tpu.vector_load %arg5[%get3A_324, %get3A_325] {strides = array<i32>} : memref<104x512xf32, #tpu.memory_space<vmem>>, vector<1x16xf32>,
        %get3A_327 = vector.shape_cast %get3A_326 : vector<1x16xf32> to vector<1x16xf32>
        %reshape3A_328 = vector.shape_cast %get3A_327 : vector<1x16xf32> to vector<16xf32>
        %gt3A_329 = arith.cmpf ogt, %reshape3A_328, %select_n3A_273 : vector<16xf32>
        %gt3A_330 = arith.cmpf ogt, %reshape3A_328, %select_n3A_270 : vector<16xf32>
        %select_n3A_331 = arith.select %gt3A_330, %reshape3A_328, %select_n3A_270 : vector<16xi1>, vector<16xf32>
        %select_n3A_332 = arith.select %gt3A_329, %select_n3A_273, %select_n3A_331 : vector<16xi1>, vector<16xf32>
        %select_n3A_333 = arith.select %gt3A_330, %mul3A_310, %select_n3A_272 : vector<16xi1>, vector<16xi32>
        %select_n3A_334 = arith.select %gt3A_329, %select_n3A_274, %select_n3A_333 : vector<16xi1>, vector<16xi32>
        %select_n3A_335 = arith.select %gt3A_329, %reshape3A_328, %select_n3A_273 : vector<16xi1>, vector<16xf32>
        %select_n3A_336 = arith.select %gt3A_329, %mul3A_310, %select_n3A_274 : vector<16xi1>, vector<16xi32>
        %get3A_337 = arith.index_cast %add3A_306 : i32 to index
        %get3A_338 = arith.index_cast %add3A_83 : i32 to index
        %get3A_339 = tpu.vector_load %arg5[%get3A_337, %get3A_338] {strides = array<i32>} : memref<104x512xf32, #tpu.memory_space<vmem>>, vector<1x16xf32>,
        %get3A_340 = vector.shape_cast %get3A_339 : vector<1x16xf32> to vector<1x16xf32>
        %reshape3A_341 = vector.shape_cast %get3A_340 : vector<1x16xf32> to vector<16xf32>
        %gt3A_342 = arith.cmpf ogt, %reshape3A_341, %select_n3A_286 : vector<16xf32>
        %gt3A_343 = arith.cmpf ogt, %reshape3A_341, %select_n3A_283 : vector<16xf32>
        %select_n3A_344 = arith.select %gt3A_343, %reshape3A_341, %select_n3A_283 : vector<16xi1>, vector<16xf32>
        %select_n3A_345 = arith.select %gt3A_342, %select_n3A_286, %select_n3A_344 : vector<16xi1>, vector<16xf32>
        %select_n3A_346 = arith.select %gt3A_343, %mul3A_310, %select_n3A_285 : vector<16xi1>, vector<16xi32>
        %select_n3A_347 = arith.select %gt3A_342, %select_n3A_287, %select_n3A_346 : vector<16xi1>, vector<16xi32>
        %select_n3A_348 = arith.select %gt3A_342, %reshape3A_341, %select_n3A_286 : vector<16xi1>, vector<16xf32>
        %select_n3A_349 = arith.select %gt3A_342, %mul3A_310, %select_n3A_287 : vector<16xi1>, vector<16xi32>
        %get3A_350 = arith.index_cast %add3A_306 : i32 to index
        %get3A_351 = arith.index_cast %add3A_87 : i32 to index
        %get3A_352 = tpu.vector_load %arg5[%get3A_350, %get3A_351] {strides = array<i32>} : memref<104x512xf32, #tpu.memory_space<vmem>>, vector<1x16xf32>,
        %get3A_353 = vector.shape_cast %get3A_352 : vector<1x16xf32> to vector<1x16xf32>
        %reshape3A_354 = vector.shape_cast %get3A_353 : vector<1x16xf32> to vector<16xf32>
        %gt3A_355 = arith.cmpf ogt, %reshape3A_354, %select_n3A_299 : vector<16xf32>
        %gt3A_356 = arith.cmpf ogt, %reshape3A_354, %select_n3A_296 : vector<16xf32>
        %select_n3A_357 = arith.select %gt3A_356, %reshape3A_354, %select_n3A_296 : vector<16xi1>, vector<16xf32>
        %select_n3A_358 = arith.select %gt3A_355, %select_n3A_299, %select_n3A_357 : vector<16xi1>, vector<16xf32>
        %select_n3A_359 = arith.select %gt3A_356, %mul3A_310, %select_n3A_298 : vector<16xi1>, vector<16xi32>
        %select_n3A_360 = arith.select %gt3A_355, %select_n3A_300, %select_n3A_359 : vector<16xi1>, vector<16xi32>
        %select_n3A_361 = arith.select %gt3A_355, %reshape3A_354, %select_n3A_299 : vector<16xi1>, vector<16xf32>
        %select_n3A_362 = arith.select %gt3A_355, %mul3A_310, %select_n3A_300 : vector<16xi1>, vector<16xi32>
        %mul3A_363 = arith.constant 4 : i32
        %mul3A_364 = arith.muli %scan3A_164, %mul3A_363 : i32
        %add3A_365 = arith.constant 0 : i32
        %add3A_366 = arith.addi %add3A_365, %mul3A_364 : i32
        %add3A_367 = arith.constant 3 : i32
        %add3A_368 = arith.addi %add3A_366, %add3A_367 : i32
        %broadcast_in_dim3A_369 = arith.constant 1 : i32
        %broadcast_in_dim3A_370 = vector.broadcast %broadcast_in_dim3A_369 : i32 to vector<16xi32>
        %mul3A_371 = vector.broadcast %add3A_368 : i32 to vector<16xi32>
        %mul3A_372 = arith.muli %broadcast_in_dim3A_370, %mul3A_371 : vector<16xi32>
        %get3A_373 = arith.index_cast %add3A_368 : i32 to index
        %get3A_374 = arith.index_cast %add3A_75 : i32 to index
        %get3A_375 = tpu.vector_load %arg5[%get3A_373, %get3A_374] {strides = array<i32>} : memref<104x512xf32, #tpu.memory_space<vmem>>, vector<1x16xf32>,
        %get3A_376 = vector.shape_cast %get3A_375 : vector<1x16xf32> to vector<1x16xf32>
        %reshape3A_377 = vector.shape_cast %get3A_376 : vector<1x16xf32> to vector<16xf32>
        %gt3A_378 = arith.cmpf ogt, %reshape3A_377, %select_n3A_322 : vector<16xf32>
        %gt3A_379 = arith.cmpf ogt, %reshape3A_377, %select_n3A_319 : vector<16xf32>
        %select_n3A_380 = arith.select %gt3A_379, %reshape3A_377, %select_n3A_319 : vector<16xi1>, vector<16xf32>
        %select_n3A_381 = arith.select %gt3A_378, %select_n3A_322, %select_n3A_380 : vector<16xi1>, vector<16xf32>
        %select_n3A_382 = arith.select %gt3A_379, %mul3A_372, %select_n3A_321 : vector<16xi1>, vector<16xi32>
        %select_n3A_383 = arith.select %gt3A_378, %select_n3A_323, %select_n3A_382 : vector<16xi1>, vector<16xi32>
        %select_n3A_384 = arith.select %gt3A_378, %reshape3A_377, %select_n3A_322 : vector<16xi1>, vector<16xf32>
        %select_n3A_385 = arith.select %gt3A_378, %mul3A_372, %select_n3A_323 : vector<16xi1>, vector<16xi32>
        %get3A_386 = arith.index_cast %add3A_368 : i32 to index
        %get3A_387 = arith.index_cast %add3A_79 : i32 to index
        %get3A_388 = tpu.vector_load %arg5[%get3A_386, %get3A_387] {strides = array<i32>} : memref<104x512xf32, #tpu.memory_space<vmem>>, vector<1x16xf32>,
        %get3A_389 = vector.shape_cast %get3A_388 : vector<1x16xf32> to vector<1x16xf32>
        %reshape3A_390 = vector.shape_cast %get3A_389 : vector<1x16xf32> to vector<16xf32>
        %gt3A_391 = arith.cmpf ogt, %reshape3A_390, %select_n3A_335 : vector<16xf32>
        %gt3A_392 = arith.cmpf ogt, %reshape3A_390, %select_n3A_332 : vector<16xf32>
        %select_n3A_393 = arith.select %gt3A_392, %reshape3A_390, %select_n3A_332 : vector<16xi1>, vector<16xf32>
        %select_n3A_394 = arith.select %gt3A_391, %select_n3A_335, %select_n3A_393 : vector<16xi1>, vector<16xf32>
        %select_n3A_395 = arith.select %gt3A_392, %mul3A_372, %select_n3A_334 : vector<16xi1>, vector<16xi32>
        %select_n3A_396 = arith.select %gt3A_391, %select_n3A_336, %select_n3A_395 : vector<16xi1>, vector<16xi32>
        %select_n3A_397 = arith.select %gt3A_391, %reshape3A_390, %select_n3A_335 : vector<16xi1>, vector<16xf32>
        %select_n3A_398 = arith.select %gt3A_391, %mul3A_372, %select_n3A_336 : vector<16xi1>, vector<16xi32>
        %get3A_399 = arith.index_cast %add3A_368 : i32 to index
        %get3A_400 = arith.index_cast %add3A_83 : i32 to index
        %get3A_401 = tpu.vector_load %arg5[%get3A_399, %get3A_400] {strides = array<i32>} : memref<104x512xf32, #tpu.memory_space<vmem>>, vector<1x16xf32>,
        %get3A_402 = vector.shape_cast %get3A_401 : vector<1x16xf32> to vector<1x16xf32>
        %reshape3A_403 = vector.shape_cast %get3A_402 : vector<1x16xf32> to vector<16xf32>
        %gt3A_404 = arith.cmpf ogt, %reshape3A_403, %select_n3A_348 : vector<16xf32>
        %gt3A_405 = arith.cmpf ogt, %reshape3A_403, %select_n3A_345 : vector<16xf32>
        %select_n3A_406 = arith.select %gt3A_405, %reshape3A_403, %select_n3A_345 : vector<16xi1>, vector<16xf32>
        %select_n3A_407 = arith.select %gt3A_404, %select_n3A_348, %select_n3A_406 : vector<16xi1>, vector<16xf32>
        %select_n3A_408 = arith.select %gt3A_405, %mul3A_372, %select_n3A_347 : vector<16xi1>, vector<16xi32>
        %select_n3A_409 = arith.select %gt3A_404, %select_n3A_349, %select_n3A_408 : vector<16xi1>, vector<16xi32>
        %select_n3A_410 = arith.select %gt3A_404, %reshape3A_403, %select_n3A_348 : vector<16xi1>, vector<16xf32>
        %select_n3A_411 = arith.select %gt3A_404, %mul3A_372, %select_n3A_349 : vector<16xi1>, vector<16xi32>
        %get3A_412 = arith.index_cast %add3A_368 : i32 to index
        %get3A_413 = arith.index_cast %add3A_87 : i32 to index
        %get3A_414 = tpu.vector_load %arg5[%get3A_412, %get3A_413] {strides = array<i32>} : memref<104x512xf32, #tpu.memory_space<vmem>>, vector<1x16xf32>,
        %get3A_415 = vector.shape_cast %get3A_414 : vector<1x16xf32> to vector<1x16xf32>
        %reshape3A_416 = vector.shape_cast %get3A_415 : vector<1x16xf32> to vector<16xf32>
        %gt3A_417 = arith.cmpf ogt, %reshape3A_416, %select_n3A_361 : vector<16xf32>
        %gt3A_418 = arith.cmpf ogt, %reshape3A_416, %select_n3A_358 : vector<16xf32>
        %select_n3A_419 = arith.select %gt3A_418, %reshape3A_416, %select_n3A_358 : vector<16xi1>, vector<16xf32>
        %select_n3A_420 = arith.select %gt3A_417, %select_n3A_361, %select_n3A_419 : vector<16xi1>, vector<16xf32>
        %select_n3A_421 = arith.select %gt3A_418, %mul3A_372, %select_n3A_360 : vector<16xi1>, vector<16xi32>
        %select_n3A_422 = arith.select %gt3A_417, %select_n3A_362, %select_n3A_421 : vector<16xi1>, vector<16xi32>
        %select_n3A_423 = arith.select %gt3A_417, %reshape3A_416, %select_n3A_361 : vector<16xi1>, vector<16xf32>
        %select_n3A_424 = arith.select %gt3A_417, %mul3A_372, %select_n3A_362 : vector<16xi1>, vector<16xi32>
        scf.yield %select_n3A_384, %select_n3A_381, %select_n3A_385, %select_n3A_383, %select_n3A_397, %select_n3A_394, %select_n3A_398, %select_n3A_396, %select_n3A_410, %select_n3A_407, %select_n3A_411, %select_n3A_409, %select_n3A_423, %select_n3A_420, %select_n3A_424, %select_n3A_422 : vector<16xf32>, vector<16xf32>, vector<16xi32>, vector<16xi32>, vector<16xf32>, vector<16xf32>, vector<16xi32>, vector<16xi32>, vector<16xf32>, vector<16xf32>, vector<16xi32>, vector<16xi32>, vector<16xf32>, vector<16xf32>, vector<16xi32>, vector<16xi32>
      }
      %scan3A_100 = arith.constant 14 : i32
      %swap3A = arith.index_cast %add3A_75 : i32 to index
      %swap3A_101 = tpu.vector_load %arg6[%swap3A] {strides = array<i32>} : memref<512xf32, #tpu.memory_space<vmem>>, vector<16xf32>,
      %swap3A_102 = vector.shape_cast %swap3A_101 : vector<16xf32> to vector<16xf32>
      %swap3A_103 = vector.shape_cast %scan3A_99#0 : vector<16xf32> to vector<16xf32>
      tpu.vector_store %arg6[%swap3A], %swap3A_103 {strides = array<i32>} : memref<512xf32, #tpu.memory_space<vmem>>, vector<16xf32>,
      %swap3A_104 = arith.index_cast %add3A_75 : i32 to index
      %swap3A_105 = tpu.vector_load %arg7[%swap3A_104] {strides = array<i32>} : memref<512xf32, #tpu.memory_space<vmem>>, vector<16xf32>,
      %swap3A_106 = vector.shape_cast %swap3A_105 : vector<16xf32> to vector<16xf32>
      %swap3A_107 = vector.shape_cast %scan3A_99#1 : vector<16xf32> to vector<16xf32>
      tpu.vector_store %arg7[%swap3A_104], %swap3A_107 {strides = array<i32>} : memref<512xf32, #tpu.memory_space<vmem>>, vector<16xf32>,
      %swap3A_108 = arith.index_cast %add3A_75 : i32 to index
      %swap3A_109 = tpu.vector_load %arg8[%swap3A_108] {strides = array<i32>} : memref<512xi32, #tpu.memory_space<vmem>>, vector<16xi32>,
      %swap3A_110 = vector.shape_cast %swap3A_109 : vector<16xi32> to vector<16xi32>
      %swap3A_111 = vector.shape_cast %scan3A_99#2 : vector<16xi32> to vector<16xi32>
      tpu.vector_store %arg8[%swap3A_108], %swap3A_111 {strides = array<i32>} : memref<512xi32, #tpu.memory_space<vmem>>, vector<16xi32>,
      %swap3A_112 = arith.index_cast %add3A_75 : i32 to index
      %swap3A_113 = tpu.vector_load %arg9[%swap3A_112] {strides = array<i32>} : memref<512xi32, #tpu.memory_space<vmem>>, vector<16xi32>,
      %swap3A_114 = vector.shape_cast %swap3A_113 : vector<16xi32> to vector<16xi32>
      %swap3A_115 = vector.shape_cast %scan3A_99#3 : vector<16xi32> to vector<16xi32>
      tpu.vector_store %arg9[%swap3A_112], %swap3A_115 {strides = array<i32>} : memref<512xi32, #tpu.memory_space<vmem>>, vector<16xi32>,
      %swap3A_116 = arith.index_cast %add3A_79 : i32 to index
      %swap3A_117 = tpu.vector_load %arg6[%swap3A_116] {strides = array<i32>} : memref<512xf32, #tpu.memory_space<vmem>>, vector<16xf32>,
      %swap3A_118 = vector.shape_cast %swap3A_117 : vector<16xf32> to vector<16xf32>
      %swap3A_119 = vector.shape_cast %scan3A_99#4 : vector<16xf32> to vector<16xf32>
      tpu.vector_store %arg6[%swap3A_116], %swap3A_119 {strides = array<i32>} : memref<512xf32, #tpu.memory_space<vmem>>, vector<16xf32>,
      %swap3A_120 = arith.index_cast %add3A_79 : i32 to index
      %swap3A_121 = tpu.vector_load %arg7[%swap3A_120] {strides = array<i32>} : memref<512xf32, #tpu.memory_space<vmem>>, vector<16xf32>,
      %swap3A_122 = vector.shape_cast %swap3A_121 : vector<16xf32> to vector<16xf32>
      %swap3A_123 = vector.shape_cast %scan3A_99#5 : vector<16xf32> to vector<16xf32>
      tpu.vector_store %arg7[%swap3A_120], %swap3A_123 {strides = array<i32>} : memref<512xf32, #tpu.memory_space<vmem>>, vector<16xf32>,
      %swap3A_124 = arith.index_cast %add3A_79 : i32 to index
      %swap3A_125 = tpu.vector_load %arg8[%swap3A_124] {strides = array<i32>} : memref<512xi32, #tpu.memory_space<vmem>>, vector<16xi32>,
      %swap3A_126 = vector.shape_cast %swap3A_125 : vector<16xi32> to vector<16xi32>
      %swap3A_127 = vector.shape_cast %scan3A_99#6 : vector<16xi32> to vector<16xi32>
      tpu.vector_store %arg8[%swap3A_124], %swap3A_127 {strides = array<i32>} : memref<512xi32, #tpu.memory_space<vmem>>, vector<16xi32>,
      %swap3A_128 = arith.index_cast %add3A_79 : i32 to index
      %swap3A_129 = tpu.vector_load %arg9[%swap3A_128] {strides = array<i32>} : memref<512xi32, #tpu.memory_space<vmem>>, vector<16xi32>,
      %swap3A_130 = vector.shape_cast %swap3A_129 : vector<16xi32> to vector<16xi32>
      %swap3A_131 = vector.shape_cast %scan3A_99#7 : vector<16xi32> to vector<16xi32>
      tpu.vector_store %arg9[%swap3A_128], %swap3A_131 {strides = array<i32>} : memref<512xi32, #tpu.memory_space<vmem>>, vector<16xi32>,
      %swap3A_132 = arith.index_cast %add3A_83 : i32 to index
      %swap3A_133 = tpu.vector_load %arg6[%swap3A_132] {strides = array<i32>} : memref<512xf32, #tpu.memory_space<vmem>>, vector<16xf32>,
      %swap3A_134 = vector.shape_cast %swap3A_133 : vector<16xf32> to vector<16xf32>
      %swap3A_135 = vector.shape_cast %scan3A_99#8 : vector<16xf32> to vector<16xf32>
      tpu.vector_store %arg6[%swap3A_132], %swap3A_135 {strides = array<i32>} : memref<512xf32, #tpu.memory_space<vmem>>, vector<16xf32>,
      %swap3A_136 = arith.index_cast %add3A_83 : i32 to index
      %swap3A_137 = tpu.vector_load %arg7[%swap3A_136] {strides = array<i32>} : memref<512xf32, #tpu.memory_space<vmem>>, vector<16xf32>,
      %swap3A_138 = vector.shape_cast %swap3A_137 : vector<16xf32> to vector<16xf32>
      %swap3A_139 = vector.shape_cast %scan3A_99#9 : vector<16xf32> to vector<16xf32>
      tpu.vector_store %arg7[%swap3A_136], %swap3A_139 {strides = array<i32>} : memref<512xf32, #tpu.memory_space<vmem>>, vector<16xf32>,
      %swap3A_140 = arith.index_cast %add3A_83 : i32 to index
      %swap3A_141 = tpu.vector_load %arg8[%swap3A_140] {strides = array<i32>} : memref<512xi32, #tpu.memory_space<vmem>>, vector<16xi32>,
      %swap3A_142 = vector.shape_cast %swap3A_141 : vector<16xi32> to vector<16xi32>
      %swap3A_143 = vector.shape_cast %scan3A_99#10 : vector<16xi32> to vector<16xi32>
      tpu.vector_store %arg8[%swap3A_140], %swap3A_143 {strides = array<i32>} : memref<512xi32, #tpu.memory_space<vmem>>, vector<16xi32>,
      %swap3A_144 = arith.index_cast %add3A_83 : i32 to index
      %swap3A_145 = tpu.vector_load %arg9[%swap3A_144] {strides = array<i32>} : memref<512xi32, #tpu.memory_space<vmem>>, vector<16xi32>,
      %swap3A_146 = vector.shape_cast %swap3A_145 : vector<16xi32> to vector<16xi32>
      %swap3A_147 = vector.shape_cast %scan3A_99#11 : vector<16xi32> to vector<16xi32>
      tpu.vector_store %arg9[%swap3A_144], %swap3A_147 {strides = array<i32>} : memref<512xi32, #tpu.memory_space<vmem>>, vector<16xi32>,
      %swap3A_148 = arith.index_cast %add3A_87 : i32 to index
      %swap3A_149 = tpu.vector_load %arg6[%swap3A_148] {strides = array<i32>} : memref<512xf32, #tpu.memory_space<vmem>>, vector<16xf32>,
      %swap3A_150 = vector.shape_cast %swap3A_149 : vector<16xf32> to vector<16xf32>
      %swap3A_151 = vector.shape_cast %scan3A_99#12 : vector<16xf32> to vector<16xf32>
      tpu.vector_store %arg6[%swap3A_148], %swap3A_151 {strides = array<i32>} : memref<512xf32, #tpu.memory_space<vmem>>, vector<16xf32>,
      %swap3A_152 = arith.index_cast %add3A_87 : i32 to index
      %swap3A_153 = tpu.vector_load %arg7[%swap3A_152] {strides = array<i32>} : memref<512xf32, #tpu.memory_space<vmem>>, vector<16xf32>,
      %swap3A_154 = vector.shape_cast %swap3A_153 : vector<16xf32> to vector<16xf32>
      %swap3A_155 = vector.shape_cast %scan3A_99#13 : vector<16xf32> to vector<16xf32>
      tpu.vector_store %arg7[%swap3A_152], %swap3A_155 {strides = array<i32>} : memref<512xf32, #tpu.memory_space<vmem>>, vector<16xf32>,
      %swap3A_156 = arith.index_cast %add3A_87 : i32 to index
      %swap3A_157 = tpu.vector_load %arg8[%swap3A_156] {strides = array<i32>} : memref<512xi32, #tpu.memory_space<vmem>>, vector<16xi32>,
      %swap3A_158 = vector.shape_cast %swap3A_157 : vector<16xi32> to vector<16xi32>
      %swap3A_159 = vector.shape_cast %scan3A_99#14 : vector<16xi32> to vector<16xi32>
      tpu.vector_store %arg8[%swap3A_156], %swap3A_159 {strides = array<i32>} : memref<512xi32, #tpu.memory_space<vmem>>, vector<16xi32>,
      %swap3A_160 = arith.index_cast %add3A_87 : i32 to index
      %swap3A_161 = tpu.vector_load %arg9[%swap3A_160] {strides = array<i32>} : memref<512xi32, #tpu.memory_space<vmem>>, vector<16xi32>,
      %swap3A_162 = vector.shape_cast %swap3A_161 : vector<16xi32> to vector<16xi32>
      %swap3A_163 = vector.shape_cast %scan3A_99#15 : vector<16xi32> to vector<16xi32>
      tpu.vector_store %arg9[%swap3A_160], %swap3A_163 {strides = array<i32>} : memref<512xi32, #tpu.memory_space<vmem>>, vector<16xi32>,
    }
    %scan3A_47 = arith.constant 8 : i32
    %dma_wait3A_48 = arith.constant 56 : i32
    %dma_wait3A_49 = arith.constant 0 : i32
    %dma_wait3A_50 = tpu.memref_slice %arg5[%dma_wait3A_48, %dma_wait3A_49] : memref<104x512xf32, #tpu.memory_space<vmem>> -> memref<48x512xf32, #tpu.memory_space<vmem>>
    %dma_wait3A_51 = arith.constant 56 : i32
    %dma_wait3A_52 = arith.constant 0 : i32
    %dma_wait3A_53 = tpu.memref_slice %arg2[%add3A, %dma_wait3A_51, %dma_wait3A_52] : memref<32x104x512xf32, #tpu.memory_space<hbm>> -> memref<1x48x512xf32, #tpu.memory_space<hbm>>
    %dma_wait3A_54 = tpu.memref_squeeze %dma_wait3A_53 : memref<1x48x512xf32, #tpu.memory_space<hbm>> -> memref<48x512xf32, #tpu.memory_space<hbm>>
    %dma_wait3A_55 = arith.constant 56 : i32
    %dma_wait3A_56 = arith.constant 0 : i32
    %dma_wait3A_57 = tpu.memref_slice %arg5[%dma_wait3A_55, %dma_wait3A_56] : memref<104x512xf32, #tpu.memory_space<vmem>> -> memref<48x512xf32, #tpu.memory_space<vmem>>
    %dma_wait3A_58 = arith.constant 56 : i32
    %dma_wait3A_59 = arith.constant 0 : i32
    %dma_wait3A_60 = tpu.memref_slice %arg2[%add3A, %dma_wait3A_58, %dma_wait3A_59] : memref<32x104x512xf32, #tpu.memory_space<hbm>> -> memref<1x48x512xf32, #tpu.memory_space<hbm>>
    %dma_wait3A_61 = tpu.memref_squeeze %dma_wait3A_60 : memref<1x48x512xf32, #tpu.memory_space<hbm>> -> memref<48x512xf32, #tpu.memory_space<hbm>>
    tpu.wait_dma2 semaphore(%arg11 : memref<!tpu.dma_semaphore, #tpu.memory_space<semaphore_mem>>) src(%dma_wait3A_61 : memref<48x512xf32, #tpu.memory_space<hbm>>) dst(%dma_wait3A_57 : memref<48x512xf32, #tpu.memory_space<vmem>>)
    %scan3A_62 = arith.constant 0 : i32
    %scan3A_63 = arith.constant 0 : i32
    %scan3A_64 = arith.constant 8 : i32
    %scan3A_65 = arith.addi %scan3A_63, %scan3A_64 : i32
    %scan3A_66 = arith.constant 1 : i32
    scf.for %scan3A_71 = %scan3A_63 to %scan3A_65 step %scan3A_66  : i32 {
      %mul3A_72 = arith.constant 64 : i32
      %mul3A_73 = arith.muli %scan3A_71, %mul3A_72 : i32
      %add3A_74 = arith.constant 0 : i32
      %add3A_75 = arith.addi %mul3A_73, %add3A_74 : i32
      %mul3A_76 = arith.constant 64 : i32
      %mul3A_77 = arith.muli %scan3A_71, %mul3A_76 : i32
      %add3A_78 = arith.constant 16 : i32
      %add3A_79 = arith.addi %mul3A_77, %add3A_78 : i32
      %mul3A_80 = arith.constant 64 : i32
      %mul3A_81 = arith.muli %scan3A_71, %mul3A_80 : i32
      %add3A_82 = arith.constant 32 : i32
      %add3A_83 = arith.addi %mul3A_81, %add3A_82 : i32
      %mul3A_84 = arith.constant 64 : i32
      %mul3A_85 = arith.muli %scan3A_71, %mul3A_84 : i32
      %add3A_86 = arith.constant 48 : i32
      %add3A_87 = arith.addi %mul3A_85, %add3A_86 : i32
      %get3A = arith.index_cast %add3A_75 : i32 to index
      %get3A_88 = tpu.vector_load %arg6[%get3A] {strides = array<i32>} : memref<512xf32, #tpu.memory_space<vmem>>, vector<16xf32>,
      %get3A_89 = vector.shape_cast %get3A_88 : vector<16xf32> to vector<16xf32>
      %get3A_90 = arith.index_cast %add3A_75 : i32 to index
      %get3A_91 = tpu.vector_load %arg7[%get3A_90] {strides = array<i32>} : memref<512xf32, #tpu.memory_space<vmem>>, vector<16xf32>,
      %get3A_92 = vector.shape_cast %get3A_91 : vector<16xf32> to vector<16xf32>
      %get3A_93 = arith.index_cast %add3A_75 : i32 to index
      %get3A_94 = tpu.vector_load %arg8[%get3A_93] {strides = array<i32>} : memref<512xi32, #tpu.memory_space<vmem>>, vector<16xi32>,
      %get3A_95 = vector.shape_cast %get3A_94 : vector<16xi32> to vector<16xi32>
      %get3A_96 = arith.index_cast %add3A_75 : i32 to index
      %get3A_97 = tpu.vector_load %arg9[%get3A_96] {strides = array<i32>} : memref<512xi32, #tpu.memory_space<vmem>>, vector<16xi32>,
      %get3A_98 = vector.shape_cast %get3A_97 : vector<16xi32> to vector<16xi32>
      %get3A_99 = arith.index_cast %add3A_79 : i32 to index
      %get3A_100 = tpu.vector_load %arg6[%get3A_99] {strides = array<i32>} : memref<512xf32, #tpu.memory_space<vmem>>, vector<16xf32>,
      %get3A_101 = vector.shape_cast %get3A_100 : vector<16xf32> to vector<16xf32>
      %get3A_102 = arith.index_cast %add3A_79 : i32 to index
      %get3A_103 = tpu.vector_load %arg7[%get3A_102] {strides = array<i32>} : memref<512xf32, #tpu.memory_space<vmem>>, vector<16xf32>,
      %get3A_104 = vector.shape_cast %get3A_103 : vector<16xf32> to vector<16xf32>
      %get3A_105 = arith.index_cast %add3A_79 : i32 to index
      %get3A_106 = tpu.vector_load %arg8[%get3A_105] {strides = array<i32>} : memref<512xi32, #tpu.memory_space<vmem>>, vector<16xi32>,
      %get3A_107 = vector.shape_cast %get3A_106 : vector<16xi32> to vector<16xi32>
      %get3A_108 = arith.index_cast %add3A_79 : i32 to index
      %get3A_109 = tpu.vector_load %arg9[%get3A_108] {strides = array<i32>} : memref<512xi32, #tpu.memory_space<vmem>>, vector<16xi32>,
      %get3A_110 = vector.shape_cast %get3A_109 : vector<16xi32> to vector<16xi32>
      %get3A_111 = arith.index_cast %add3A_83 : i32 to index
      %get3A_112 = tpu.vector_load %arg6[%get3A_111] {strides = array<i32>} : memref<512xf32, #tpu.memory_space<vmem>>, vector<16xf32>,
      %get3A_113 = vector.shape_cast %get3A_112 : vector<16xf32> to vector<16xf32>
      %get3A_114 = arith.index_cast %add3A_83 : i32 to index
      %get3A_115 = tpu.vector_load %arg7[%get3A_114] {strides = array<i32>} : memref<512xf32, #tpu.memory_space<vmem>>, vector<16xf32>,
      %get3A_116 = vector.shape_cast %get3A_115 : vector<16xf32> to vector<16xf32>
      %get3A_117 = arith.index_cast %add3A_83 : i32 to index
      %get3A_118 = tpu.vector_load %arg8[%get3A_117] {strides = array<i32>} : memref<512xi32, #tpu.memory_space<vmem>>, vector<16xi32>,
      %get3A_119 = vector.shape_cast %get3A_118 : vector<16xi32> to vector<16xi32>
      %get3A_120 = arith.index_cast %add3A_83 : i32 to index
      %get3A_121 = tpu.vector_load %arg9[%get3A_120] {strides = array<i32>} : memref<512xi32, #tpu.memory_space<vmem>>, vector<16xi32>,
      %get3A_122 = vector.shape_cast %get3A_121 : vector<16xi32> to vector<16xi32>
      %get3A_123 = arith.index_cast %add3A_87 : i32 to index
      %get3A_124 = tpu.vector_load %arg6[%get3A_123] {strides = array<i32>} : memref<512xf32, #tpu.memory_space<vmem>>, vector<16xf32>,
      %get3A_125 = vector.shape_cast %get3A_124 : vector<16xf32> to vector<16xf32>
      %get3A_126 = arith.index_cast %add3A_87 : i32 to index
      %get3A_127 = tpu.vector_load %arg7[%get3A_126] {strides = array<i32>} : memref<512xf32, #tpu.memory_space<vmem>>, vector<16xf32>,
      %get3A_128 = vector.shape_cast %get3A_127 : vector<16xf32> to vector<16xf32>
      %get3A_129 = arith.index_cast %add3A_87 : i32 to index
      %get3A_130 = tpu.vector_load %arg8[%get3A_129] {strides = array<i32>} : memref<512xi32, #tpu.memory_space<vmem>>, vector<16xi32>,
      %get3A_131 = vector.shape_cast %get3A_130 : vector<16xi32> to vector<16xi32>
      %get3A_132 = arith.index_cast %add3A_87 : i32 to index
      %get3A_133 = tpu.vector_load %arg9[%get3A_132] {strides = array<i32>} : memref<512xi32, #tpu.memory_space<vmem>>, vector<16xi32>,
      %get3A_134 = vector.shape_cast %get3A_133 : vector<16xi32> to vector<16xi32>
      %scan3A_135 = arith.constant 0 : i32
      %scan3A_136 = arith.constant 11 : i32
      %scan3A_137 = arith.addi %scan3A_135, %scan3A_136 : i32
      %scan3A_138 = arith.constant 1 : i32
      %scan3A_139:16 = scf.for %scan3A_215 = %scan3A_135 to %scan3A_137 step %scan3A_138 iter_args(%scan3A_216 = %get3A_89, %scan3A_217 = %get3A_92, %scan3A_218 = %get3A_95, %scan3A_219 = %get3A_98, %scan3A_220 = %get3A_101, %scan3A_221 = %get3A_104, %scan3A_222 = %get3A_107, %scan3A_223 = %get3A_110, %scan3A_224 = %get3A_113, %scan3A_225 = %get3A_116, %scan3A_226 = %get3A_119, %scan3A_227 = %get3A_122, %scan3A_228 = %get3A_125, %scan3A_229 = %get3A_128, %scan3A_230 = %get3A_131, %scan3A_231 = %get3A_134) -> (vector<16xf32>, vector<16xf32>, vector<16xi32>, vector<16xi32>, vector<16xf32>, vector<16xf32>, vector<16xi32>, vector<16xi32>, vector<16xf32>, vector<16xf32>, vector<16xi32>, vector<16xi32>, vector<16xf32>, vector<16xf32>, vector<16xi32>, vector<16xi32>)  : i32 {
        %mul3A_232 = arith.constant 4 : i32
        %mul3A_233 = arith.muli %scan3A_215, %mul3A_232 : i32
        %add3A_234 = arith.constant 56 : i32
        %add3A_235 = arith.addi %add3A_234, %mul3A_233 : i32
        %add3A_236 = arith.constant 0 : i32
        %add3A_237 = arith.addi %add3A_235, %add3A_236 : i32
        %broadcast_in_dim3A = arith.constant 1 : i32
        %broadcast_in_dim3A_238 = vector.broadcast %broadcast_in_dim3A : i32 to vector<16xi32>
        %mul3A_239 = vector.broadcast %add3A_237 : i32 to vector<16xi32>
        %mul3A_240 = arith.muli %broadcast_in_dim3A_238, %mul3A_239 : vector<16xi32>
        %get3A_241 = arith.index_cast %add3A_237 : i32 to index
        %get3A_242 = arith.index_cast %add3A_75 : i32 to index
        %get3A_243 = tpu.vector_load %arg5[%get3A_241, %get3A_242] {strides = array<i32>} : memref<104x512xf32, #tpu.memory_space<vmem>>, vector<1x16xf32>,
        %get3A_244 = vector.shape_cast %get3A_243 : vector<1x16xf32> to vector<1x16xf32>
        %reshape3A = vector.shape_cast %get3A_244 : vector<1x16xf32> to vector<16xf32>
        %gt3A = arith.cmpf ogt, %reshape3A, %scan3A_216 : vector<16xf32>
        %gt3A_245 = arith.cmpf ogt, %reshape3A, %scan3A_217 : vector<16xf32>
        %select_n3A = arith.select %gt3A_245, %reshape3A, %scan3A_217 : vector<16xi1>, vector<16xf32>
        %select_n3A_246 = arith.select %gt3A, %scan3A_216, %select_n3A : vector<16xi1>, vector<16xf32>
        %select_n3A_247 = arith.select %gt3A_245, %mul3A_240, %scan3A_219 : vector<16xi1>, vector<16xi32>
        %select_n3A_248 = arith.select %gt3A, %scan3A_218, %select_n3A_247 : vector<16xi1>, vector<16xi32>
        %select_n3A_249 = arith.select %gt3A, %reshape3A, %scan3A_216 : vector<16xi1>, vector<16xf32>
        %select_n3A_250 = arith.select %gt3A, %mul3A_240, %scan3A_218 : vector<16xi1>, vector<16xi32>
        %get3A_251 = arith.index_cast %add3A_237 : i32 to index
        %get3A_252 = arith.index_cast %add3A_79 : i32 to index
        %get3A_253 = tpu.vector_load %arg5[%get3A_251, %get3A_252] {strides = array<i32>} : memref<104x512xf32, #tpu.memory_space<vmem>>, vector<1x16xf32>,
        %get3A_254 = vector.shape_cast %get3A_253 : vector<1x16xf32> to vector<1x16xf32>
        %reshape3A_255 = vector.shape_cast %get3A_254 : vector<1x16xf32> to vector<16xf32>
        %gt3A_256 = arith.cmpf ogt, %reshape3A_255, %scan3A_220 : vector<16xf32>
        %gt3A_257 = arith.cmpf ogt, %reshape3A_255, %scan3A_221 : vector<16xf32>
        %select_n3A_258 = arith.select %gt3A_257, %reshape3A_255, %scan3A_221 : vector<16xi1>, vector<16xf32>
        %select_n3A_259 = arith.select %gt3A_256, %scan3A_220, %select_n3A_258 : vector<16xi1>, vector<16xf32>
        %select_n3A_260 = arith.select %gt3A_257, %mul3A_240, %scan3A_223 : vector<16xi1>, vector<16xi32>
        %select_n3A_261 = arith.select %gt3A_256, %scan3A_222, %select_n3A_260 : vector<16xi1>, vector<16xi32>
        %select_n3A_262 = arith.select %gt3A_256, %reshape3A_255, %scan3A_220 : vector<16xi1>, vector<16xf32>
        %select_n3A_263 = arith.select %gt3A_256, %mul3A_240, %scan3A_222 : vector<16xi1>, vector<16xi32>
        %get3A_264 = arith.index_cast %add3A_237 : i32 to index
        %get3A_265 = arith.index_cast %add3A_83 : i32 to index
        %get3A_266 = tpu.vector_load %arg5[%get3A_264, %get3A_265] {strides = array<i32>} : memref<104x512xf32, #tpu.memory_space<vmem>>, vector<1x16xf32>,
        %get3A_267 = vector.shape_cast %get3A_266 : vector<1x16xf32> to vector<1x16xf32>
        %reshape3A_268 = vector.shape_cast %get3A_267 : vector<1x16xf32> to vector<16xf32>
        %gt3A_269 = arith.cmpf ogt, %reshape3A_268, %scan3A_224 : vector<16xf32>
        %gt3A_270 = arith.cmpf ogt, %reshape3A_268, %scan3A_225 : vector<16xf32>
        %select_n3A_271 = arith.select %gt3A_270, %reshape3A_268, %scan3A_225 : vector<16xi1>, vector<16xf32>
        %select_n3A_272 = arith.select %gt3A_269, %scan3A_224, %select_n3A_271 : vector<16xi1>, vector<16xf32>
        %select_n3A_273 = arith.select %gt3A_270, %mul3A_240, %scan3A_227 : vector<16xi1>, vector<16xi32>
        %select_n3A_274 = arith.select %gt3A_269, %scan3A_226, %select_n3A_273 : vector<16xi1>, vector<16xi32>
        %select_n3A_275 = arith.select %gt3A_269, %reshape3A_268, %scan3A_224 : vector<16xi1>, vector<16xf32>
        %select_n3A_276 = arith.select %gt3A_269, %mul3A_240, %scan3A_226 : vector<16xi1>, vector<16xi32>
        %get3A_277 = arith.index_cast %add3A_237 : i32 to index
        %get3A_278 = arith.index_cast %add3A_87 : i32 to index
        %get3A_279 = tpu.vector_load %arg5[%get3A_277, %get3A_278] {strides = array<i32>} : memref<104x512xf32, #tpu.memory_space<vmem>>, vector<1x16xf32>,
        %get3A_280 = vector.shape_cast %get3A_279 : vector<1x16xf32> to vector<1x16xf32>
        %reshape3A_281 = vector.shape_cast %get3A_280 : vector<1x16xf32> to vector<16xf32>
        %gt3A_282 = arith.cmpf ogt, %reshape3A_281, %scan3A_228 : vector<16xf32>
        %gt3A_283 = arith.cmpf ogt, %reshape3A_281, %scan3A_229 : vector<16xf32>
        %select_n3A_284 = arith.select %gt3A_283, %reshape3A_281, %scan3A_229 : vector<16xi1>, vector<16xf32>
        %select_n3A_285 = arith.select %gt3A_282, %scan3A_228, %select_n3A_284 : vector<16xi1>, vector<16xf32>
        %select_n3A_286 = arith.select %gt3A_283, %mul3A_240, %scan3A_231 : vector<16xi1>, vector<16xi32>
        %select_n3A_287 = arith.select %gt3A_282, %scan3A_230, %select_n3A_286 : vector<16xi1>, vector<16xi32>
        %select_n3A_288 = arith.select %gt3A_282, %reshape3A_281, %scan3A_228 : vector<16xi1>, vector<16xf32>
        %select_n3A_289 = arith.select %gt3A_282, %mul3A_240, %scan3A_230 : vector<16xi1>, vector<16xi32>
        %mul3A_290 = arith.constant 4 : i32
        %mul3A_291 = arith.muli %scan3A_215, %mul3A_290 : i32
        %add3A_292 = arith.constant 56 : i32
        %add3A_293 = arith.addi %add3A_292, %mul3A_291 : i32
        %add3A_294 = arith.constant 1 : i32
        %add3A_295 = arith.addi %add3A_293, %add3A_294 : i32
        %broadcast_in_dim3A_296 = arith.constant 1 : i32
        %broadcast_in_dim3A_297 = vector.broadcast %broadcast_in_dim3A_296 : i32 to vector<16xi32>
        %mul3A_298 = vector.broadcast %add3A_295 : i32 to vector<16xi32>
        %mul3A_299 = arith.muli %broadcast_in_dim3A_297, %mul3A_298 : vector<16xi32>
        %get3A_300 = arith.index_cast %add3A_295 : i32 to index
        %get3A_301 = arith.index_cast %add3A_75 : i32 to index
        %get3A_302 = tpu.vector_load %arg5[%get3A_300, %get3A_301] {strides = array<i32>} : memref<104x512xf32, #tpu.memory_space<vmem>>, vector<1x16xf32>,
        %get3A_303 = vector.shape_cast %get3A_302 : vector<1x16xf32> to vector<1x16xf32>
        %reshape3A_304 = vector.shape_cast %get3A_303 : vector<1x16xf32> to vector<16xf32>
        %gt3A_305 = arith.cmpf ogt, %reshape3A_304, %select_n3A_249 : vector<16xf32>
        %gt3A_306 = arith.cmpf ogt, %reshape3A_304, %select_n3A_246 : vector<16xf32>
        %select_n3A_307 = arith.select %gt3A_306, %reshape3A_304, %select_n3A_246 : vector<16xi1>, vector<16xf32>
        %select_n3A_308 = arith.select %gt3A_305, %select_n3A_249, %select_n3A_307 : vector<16xi1>, vector<16xf32>
        %select_n3A_309 = arith.select %gt3A_306, %mul3A_299, %select_n3A_248 : vector<16xi1>, vector<16xi32>
        %select_n3A_310 = arith.select %gt3A_305, %select_n3A_250, %select_n3A_309 : vector<16xi1>, vector<16xi32>
        %select_n3A_311 = arith.select %gt3A_305, %reshape3A_304, %select_n3A_249 : vector<16xi1>, vector<16xf32>
        %select_n3A_312 = arith.select %gt3A_305, %mul3A_299, %select_n3A_250 : vector<16xi1>, vector<16xi32>
        %get3A_313 = arith.index_cast %add3A_295 : i32 to index
        %get3A_314 = arith.index_cast %add3A_79 : i32 to index
        %get3A_315 = tpu.vector_load %arg5[%get3A_313, %get3A_314] {strides = array<i32>} : memref<104x512xf32, #tpu.memory_space<vmem>>, vector<1x16xf32>,
        %get3A_316 = vector.shape_cast %get3A_315 : vector<1x16xf32> to vector<1x16xf32>
        %reshape3A_317 = vector.shape_cast %get3A_316 : vector<1x16xf32> to vector<16xf32>
        %gt3A_318 = arith.cmpf ogt, %reshape3A_317, %select_n3A_262 : vector<16xf32>
        %gt3A_319 = arith.cmpf ogt, %reshape3A_317, %select_n3A_259 : vector<16xf32>
        %select_n3A_320 = arith.select %gt3A_319, %reshape3A_317, %select_n3A_259 : vector<16xi1>, vector<16xf32>
        %select_n3A_321 = arith.select %gt3A_318, %select_n3A_262, %select_n3A_320 : vector<16xi1>, vector<16xf32>
        %select_n3A_322 = arith.select %gt3A_319, %mul3A_299, %select_n3A_261 : vector<16xi1>, vector<16xi32>
        %select_n3A_323 = arith.select %gt3A_318, %select_n3A_263, %select_n3A_322 : vector<16xi1>, vector<16xi32>
        %select_n3A_324 = arith.select %gt3A_318, %reshape3A_317, %select_n3A_262 : vector<16xi1>, vector<16xf32>
        %select_n3A_325 = arith.select %gt3A_318, %mul3A_299, %select_n3A_263 : vector<16xi1>, vector<16xi32>
        %get3A_326 = arith.index_cast %add3A_295 : i32 to index
        %get3A_327 = arith.index_cast %add3A_83 : i32 to index
        %get3A_328 = tpu.vector_load %arg5[%get3A_326, %get3A_327] {strides = array<i32>} : memref<104x512xf32, #tpu.memory_space<vmem>>, vector<1x16xf32>,
        %get3A_329 = vector.shape_cast %get3A_328 : vector<1x16xf32> to vector<1x16xf32>
        %reshape3A_330 = vector.shape_cast %get3A_329 : vector<1x16xf32> to vector<16xf32>
        %gt3A_331 = arith.cmpf ogt, %reshape3A_330, %select_n3A_275 : vector<16xf32>
        %gt3A_332 = arith.cmpf ogt, %reshape3A_330, %select_n3A_272 : vector<16xf32>
        %select_n3A_333 = arith.select %gt3A_332, %reshape3A_330, %select_n3A_272 : vector<16xi1>, vector<16xf32>
        %select_n3A_334 = arith.select %gt3A_331, %select_n3A_275, %select_n3A_333 : vector<16xi1>, vector<16xf32>
        %select_n3A_335 = arith.select %gt3A_332, %mul3A_299, %select_n3A_274 : vector<16xi1>, vector<16xi32>
        %select_n3A_336 = arith.select %gt3A_331, %select_n3A_276, %select_n3A_335 : vector<16xi1>, vector<16xi32>
        %select_n3A_337 = arith.select %gt3A_331, %reshape3A_330, %select_n3A_275 : vector<16xi1>, vector<16xf32>
        %select_n3A_338 = arith.select %gt3A_331, %mul3A_299, %select_n3A_276 : vector<16xi1>, vector<16xi32>
        %get3A_339 = arith.index_cast %add3A_295 : i32 to index
        %get3A_340 = arith.index_cast %add3A_87 : i32 to index
        %get3A_341 = tpu.vector_load %arg5[%get3A_339, %get3A_340] {strides = array<i32>} : memref<104x512xf32, #tpu.memory_space<vmem>>, vector<1x16xf32>,
        %get3A_342 = vector.shape_cast %get3A_341 : vector<1x16xf32> to vector<1x16xf32>
        %reshape3A_343 = vector.shape_cast %get3A_342 : vector<1x16xf32> to vector<16xf32>
        %gt3A_344 = arith.cmpf ogt, %reshape3A_343, %select_n3A_288 : vector<16xf32>
        %gt3A_345 = arith.cmpf ogt, %reshape3A_343, %select_n3A_285 : vector<16xf32>
        %select_n3A_346 = arith.select %gt3A_345, %reshape3A_343, %select_n3A_285 : vector<16xi1>, vector<16xf32>
        %select_n3A_347 = arith.select %gt3A_344, %select_n3A_288, %select_n3A_346 : vector<16xi1>, vector<16xf32>
        %select_n3A_348 = arith.select %gt3A_345, %mul3A_299, %select_n3A_287 : vector<16xi1>, vector<16xi32>
        %select_n3A_349 = arith.select %gt3A_344, %select_n3A_289, %select_n3A_348 : vector<16xi1>, vector<16xi32>
        %select_n3A_350 = arith.select %gt3A_344, %reshape3A_343, %select_n3A_288 : vector<16xi1>, vector<16xf32>
        %select_n3A_351 = arith.select %gt3A_344, %mul3A_299, %select_n3A_289 : vector<16xi1>, vector<16xi32>
        %mul3A_352 = arith.constant 4 : i32
        %mul3A_353 = arith.muli %scan3A_215, %mul3A_352 : i32
        %add3A_354 = arith.constant 56 : i32
        %add3A_355 = arith.addi %add3A_354, %mul3A_353 : i32
        %add3A_356 = arith.constant 2 : i32
        %add3A_357 = arith.addi %add3A_355, %add3A_356 : i32
        %broadcast_in_dim3A_358 = arith.constant 1 : i32
        %broadcast_in_dim3A_359 = vector.broadcast %broadcast_in_dim3A_358 : i32 to vector<16xi32>
        %mul3A_360 = vector.broadcast %add3A_357 : i32 to vector<16xi32>
        %mul3A_361 = arith.muli %broadcast_in_dim3A_359, %mul3A_360 : vector<16xi32>
        %get3A_362 = arith.index_cast %add3A_357 : i32 to index
        %get3A_363 = arith.index_cast %add3A_75 : i32 to index
        %get3A_364 = tpu.vector_load %arg5[%get3A_362, %get3A_363] {strides = array<i32>} : memref<104x512xf32, #tpu.memory_space<vmem>>, vector<1x16xf32>,
        %get3A_365 = vector.shape_cast %get3A_364 : vector<1x16xf32> to vector<1x16xf32>
        %reshape3A_366 = vector.shape_cast %get3A_365 : vector<1x16xf32> to vector<16xf32>
        %gt3A_367 = arith.cmpf ogt, %reshape3A_366, %select_n3A_311 : vector<16xf32>
        %gt3A_368 = arith.cmpf ogt, %reshape3A_366, %select_n3A_308 : vector<16xf32>
        %select_n3A_369 = arith.select %gt3A_368, %reshape3A_366, %select_n3A_308 : vector<16xi1>, vector<16xf32>
        %select_n3A_370 = arith.select %gt3A_367, %select_n3A_311, %select_n3A_369 : vector<16xi1>, vector<16xf32>
        %select_n3A_371 = arith.select %gt3A_368, %mul3A_361, %select_n3A_310 : vector<16xi1>, vector<16xi32>
        %select_n3A_372 = arith.select %gt3A_367, %select_n3A_312, %select_n3A_371 : vector<16xi1>, vector<16xi32>
        %select_n3A_373 = arith.select %gt3A_367, %reshape3A_366, %select_n3A_311 : vector<16xi1>, vector<16xf32>
        %select_n3A_374 = arith.select %gt3A_367, %mul3A_361, %select_n3A_312 : vector<16xi1>, vector<16xi32>
        %get3A_375 = arith.index_cast %add3A_357 : i32 to index
        %get3A_376 = arith.index_cast %add3A_79 : i32 to index
        %get3A_377 = tpu.vector_load %arg5[%get3A_375, %get3A_376] {strides = array<i32>} : memref<104x512xf32, #tpu.memory_space<vmem>>, vector<1x16xf32>,
        %get3A_378 = vector.shape_cast %get3A_377 : vector<1x16xf32> to vector<1x16xf32>
        %reshape3A_379 = vector.shape_cast %get3A_378 : vector<1x16xf32> to vector<16xf32>
        %gt3A_380 = arith.cmpf ogt, %reshape3A_379, %select_n3A_324 : vector<16xf32>
        %gt3A_381 = arith.cmpf ogt, %reshape3A_379, %select_n3A_321 : vector<16xf32>
        %select_n3A_382 = arith.select %gt3A_381, %reshape3A_379, %select_n3A_321 : vector<16xi1>, vector<16xf32>
        %select_n3A_383 = arith.select %gt3A_380, %select_n3A_324, %select_n3A_382 : vector<16xi1>, vector<16xf32>
        %select_n3A_384 = arith.select %gt3A_381, %mul3A_361, %select_n3A_323 : vector<16xi1>, vector<16xi32>
        %select_n3A_385 = arith.select %gt3A_380, %select_n3A_325, %select_n3A_384 : vector<16xi1>, vector<16xi32>
        %select_n3A_386 = arith.select %gt3A_380, %reshape3A_379, %select_n3A_324 : vector<16xi1>, vector<16xf32>
        %select_n3A_387 = arith.select %gt3A_380, %mul3A_361, %select_n3A_325 : vector<16xi1>, vector<16xi32>
        %get3A_388 = arith.index_cast %add3A_357 : i32 to index
        %get3A_389 = arith.index_cast %add3A_83 : i32 to index
        %get3A_390 = tpu.vector_load %arg5[%get3A_388, %get3A_389] {strides = array<i32>} : memref<104x512xf32, #tpu.memory_space<vmem>>, vector<1x16xf32>,
        %get3A_391 = vector.shape_cast %get3A_390 : vector<1x16xf32> to vector<1x16xf32>
        %reshape3A_392 = vector.shape_cast %get3A_391 : vector<1x16xf32> to vector<16xf32>
        %gt3A_393 = arith.cmpf ogt, %reshape3A_392, %select_n3A_337 : vector<16xf32>
        %gt3A_394 = arith.cmpf ogt, %reshape3A_392, %select_n3A_334 : vector<16xf32>
        %select_n3A_395 = arith.select %gt3A_394, %reshape3A_392, %select_n3A_334 : vector<16xi1>, vector<16xf32>
        %select_n3A_396 = arith.select %gt3A_393, %select_n3A_337, %select_n3A_395 : vector<16xi1>, vector<16xf32>
        %select_n3A_397 = arith.select %gt3A_394, %mul3A_361, %select_n3A_336 : vector<16xi1>, vector<16xi32>
        %select_n3A_398 = arith.select %gt3A_393, %select_n3A_338, %select_n3A_397 : vector<16xi1>, vector<16xi32>
        %select_n3A_399 = arith.select %gt3A_393, %reshape3A_392, %select_n3A_337 : vector<16xi1>, vector<16xf32>
        %select_n3A_400 = arith.select %gt3A_393, %mul3A_361, %select_n3A_338 : vector<16xi1>, vector<16xi32>
        %get3A_401 = arith.index_cast %add3A_357 : i32 to index
        %get3A_402 = arith.index_cast %add3A_87 : i32 to index
        %get3A_403 = tpu.vector_load %arg5[%get3A_401, %get3A_402] {strides = array<i32>} : memref<104x512xf32, #tpu.memory_space<vmem>>, vector<1x16xf32>,
        %get3A_404 = vector.shape_cast %get3A_403 : vector<1x16xf32> to vector<1x16xf32>
        %reshape3A_405 = vector.shape_cast %get3A_404 : vector<1x16xf32> to vector<16xf32>
        %gt3A_406 = arith.cmpf ogt, %reshape3A_405, %select_n3A_350 : vector<16xf32>
        %gt3A_407 = arith.cmpf ogt, %reshape3A_405, %select_n3A_347 : vector<16xf32>
        %select_n3A_408 = arith.select %gt3A_407, %reshape3A_405, %select_n3A_347 : vector<16xi1>, vector<16xf32>
        %select_n3A_409 = arith.select %gt3A_406, %select_n3A_350, %select_n3A_408 : vector<16xi1>, vector<16xf32>
        %select_n3A_410 = arith.select %gt3A_407, %mul3A_361, %select_n3A_349 : vector<16xi1>, vector<16xi32>
        %select_n3A_411 = arith.select %gt3A_406, %select_n3A_351, %select_n3A_410 : vector<16xi1>, vector<16xi32>
        %select_n3A_412 = arith.select %gt3A_406, %reshape3A_405, %select_n3A_350 : vector<16xi1>, vector<16xf32>
        %select_n3A_413 = arith.select %gt3A_406, %mul3A_361, %select_n3A_351 : vector<16xi1>, vector<16xi32>
        %mul3A_414 = arith.constant 4 : i32
        %mul3A_415 = arith.muli %scan3A_215, %mul3A_414 : i32
        %add3A_416 = arith.constant 56 : i32
        %add3A_417 = arith.addi %add3A_416, %mul3A_415 : i32
        %add3A_418 = arith.constant 3 : i32
        %add3A_419 = arith.addi %add3A_417, %add3A_418 : i32
        %broadcast_in_dim3A_420 = arith.constant 1 : i32
        %broadcast_in_dim3A_421 = vector.broadcast %broadcast_in_dim3A_420 : i32 to vector<16xi32>
        %mul3A_422 = vector.broadcast %add3A_419 : i32 to vector<16xi32>
        %mul3A_423 = arith.muli %broadcast_in_dim3A_421, %mul3A_422 : vector<16xi32>
        %get3A_424 = arith.index_cast %add3A_419 : i32 to index
        %get3A_425 = arith.index_cast %add3A_75 : i32 to index
        %get3A_426 = tpu.vector_load %arg5[%get3A_424, %get3A_425] {strides = array<i32>} : memref<104x512xf32, #tpu.memory_space<vmem>>, vector<1x16xf32>,
        %get3A_427 = vector.shape_cast %get3A_426 : vector<1x16xf32> to vector<1x16xf32>
        %reshape3A_428 = vector.shape_cast %get3A_427 : vector<1x16xf32> to vector<16xf32>
        %gt3A_429 = arith.cmpf ogt, %reshape3A_428, %select_n3A_373 : vector<16xf32>
        %gt3A_430 = arith.cmpf ogt, %reshape3A_428, %select_n3A_370 : vector<16xf32>
        %select_n3A_431 = arith.select %gt3A_430, %reshape3A_428, %select_n3A_370 : vector<16xi1>, vector<16xf32>
        %select_n3A_432 = arith.select %gt3A_429, %select_n3A_373, %select_n3A_431 : vector<16xi1>, vector<16xf32>
        %select_n3A_433 = arith.select %gt3A_430, %mul3A_423, %select_n3A_372 : vector<16xi1>, vector<16xi32>
        %select_n3A_434 = arith.select %gt3A_429, %select_n3A_374, %select_n3A_433 : vector<16xi1>, vector<16xi32>
        %select_n3A_435 = arith.select %gt3A_429, %reshape3A_428, %select_n3A_373 : vector<16xi1>, vector<16xf32>
        %select_n3A_436 = arith.select %gt3A_429, %mul3A_423, %select_n3A_374 : vector<16xi1>, vector<16xi32>
        %get3A_437 = arith.index_cast %add3A_419 : i32 to index
        %get3A_438 = arith.index_cast %add3A_79 : i32 to index
        %get3A_439 = tpu.vector_load %arg5[%get3A_437, %get3A_438] {strides = array<i32>} : memref<104x512xf32, #tpu.memory_space<vmem>>, vector<1x16xf32>,
        %get3A_440 = vector.shape_cast %get3A_439 : vector<1x16xf32> to vector<1x16xf32>
        %reshape3A_441 = vector.shape_cast %get3A_440 : vector<1x16xf32> to vector<16xf32>
        %gt3A_442 = arith.cmpf ogt, %reshape3A_441, %select_n3A_386 : vector<16xf32>
        %gt3A_443 = arith.cmpf ogt, %reshape3A_441, %select_n3A_383 : vector<16xf32>
        %select_n3A_444 = arith.select %gt3A_443, %reshape3A_441, %select_n3A_383 : vector<16xi1>, vector<16xf32>
        %select_n3A_445 = arith.select %gt3A_442, %select_n3A_386, %select_n3A_444 : vector<16xi1>, vector<16xf32>
        %select_n3A_446 = arith.select %gt3A_443, %mul3A_423, %select_n3A_385 : vector<16xi1>, vector<16xi32>
        %select_n3A_447 = arith.select %gt3A_442, %select_n3A_387, %select_n3A_446 : vector<16xi1>, vector<16xi32>
        %select_n3A_448 = arith.select %gt3A_442, %reshape3A_441, %select_n3A_386 : vector<16xi1>, vector<16xf32>
        %select_n3A_449 = arith.select %gt3A_442, %mul3A_423, %select_n3A_387 : vector<16xi1>, vector<16xi32>
        %get3A_450 = arith.index_cast %add3A_419 : i32 to index
        %get3A_451 = arith.index_cast %add3A_83 : i32 to index
        %get3A_452 = tpu.vector_load %arg5[%get3A_450, %get3A_451] {strides = array<i32>} : memref<104x512xf32, #tpu.memory_space<vmem>>, vector<1x16xf32>,
        %get3A_453 = vector.shape_cast %get3A_452 : vector<1x16xf32> to vector<1x16xf32>
        %reshape3A_454 = vector.shape_cast %get3A_453 : vector<1x16xf32> to vector<16xf32>
        %gt3A_455 = arith.cmpf ogt, %reshape3A_454, %select_n3A_399 : vector<16xf32>
        %gt3A_456 = arith.cmpf ogt, %reshape3A_454, %select_n3A_396 : vector<16xf32>
        %select_n3A_457 = arith.select %gt3A_456, %reshape3A_454, %select_n3A_396 : vector<16xi1>, vector<16xf32>
        %select_n3A_458 = arith.select %gt3A_455, %select_n3A_399, %select_n3A_457 : vector<16xi1>, vector<16xf32>
        %select_n3A_459 = arith.select %gt3A_456, %mul3A_423, %select_n3A_398 : vector<16xi1>, vector<16xi32>
        %select_n3A_460 = arith.select %gt3A_455, %select_n3A_400, %select_n3A_459 : vector<16xi1>, vector<16xi32>
        %select_n3A_461 = arith.select %gt3A_455, %reshape3A_454, %select_n3A_399 : vector<16xi1>, vector<16xf32>
        %select_n3A_462 = arith.select %gt3A_455, %mul3A_423, %select_n3A_400 : vector<16xi1>, vector<16xi32>
        %get3A_463 = arith.index_cast %add3A_419 : i32 to index
        %get3A_464 = arith.index_cast %add3A_87 : i32 to index
        %get3A_465 = tpu.vector_load %arg5[%get3A_463, %get3A_464] {strides = array<i32>} : memref<104x512xf32, #tpu.memory_space<vmem>>, vector<1x16xf32>,
        %get3A_466 = vector.shape_cast %get3A_465 : vector<1x16xf32> to vector<1x16xf32>
        %reshape3A_467 = vector.shape_cast %get3A_466 : vector<1x16xf32> to vector<16xf32>
        %gt3A_468 = arith.cmpf ogt, %reshape3A_467, %select_n3A_412 : vector<16xf32>
        %gt3A_469 = arith.cmpf ogt, %reshape3A_467, %select_n3A_409 : vector<16xf32>
        %select_n3A_470 = arith.select %gt3A_469, %reshape3A_467, %select_n3A_409 : vector<16xi1>, vector<16xf32>
        %select_n3A_471 = arith.select %gt3A_468, %select_n3A_412, %select_n3A_470 : vector<16xi1>, vector<16xf32>
        %select_n3A_472 = arith.select %gt3A_469, %mul3A_423, %select_n3A_411 : vector<16xi1>, vector<16xi32>
        %select_n3A_473 = arith.select %gt3A_468, %select_n3A_413, %select_n3A_472 : vector<16xi1>, vector<16xi32>
        %select_n3A_474 = arith.select %gt3A_468, %reshape3A_467, %select_n3A_412 : vector<16xi1>, vector<16xf32>
        %select_n3A_475 = arith.select %gt3A_468, %mul3A_423, %select_n3A_413 : vector<16xi1>, vector<16xi32>
        scf.yield %select_n3A_435, %select_n3A_432, %select_n3A_436, %select_n3A_434, %select_n3A_448, %select_n3A_445, %select_n3A_449, %select_n3A_447, %select_n3A_461, %select_n3A_458, %select_n3A_462, %select_n3A_460, %select_n3A_474, %select_n3A_471, %select_n3A_475, %select_n3A_473 : vector<16xf32>, vector<16xf32>, vector<16xi32>, vector<16xi32>, vector<16xf32>, vector<16xf32>, vector<16xi32>, vector<16xi32>, vector<16xf32>, vector<16xf32>, vector<16xi32>, vector<16xi32>, vector<16xf32>, vector<16xf32>, vector<16xi32>, vector<16xi32>
      }
      %scan3A_140 = arith.constant 11 : i32
      %add3A_141 = arith.addf %scan3A_139#0, %scan3A_139#1 : vector<16xf32>
      %div3A = arith.divf %scan3A_139#0, %add3A_141 : vector<16xf32>
      %swap3A = arith.index_cast %add3A_75 : i32 to index
      %swap3A_142 = tpu.vector_load %arg6[%swap3A] {strides = array<i32>} : memref<512xf32, #tpu.memory_space<vmem>>, vector<16xf32>,
      %swap3A_143 = vector.shape_cast %swap3A_142 : vector<16xf32> to vector<16xf32>
      %swap3A_144 = vector.shape_cast %div3A : vector<16xf32> to vector<16xf32>
      tpu.vector_store %arg6[%swap3A], %swap3A_144 {strides = array<i32>} : memref<512xf32, #tpu.memory_space<vmem>>, vector<16xf32>,
      %div3A_145 = arith.divf %scan3A_139#1, %add3A_141 : vector<16xf32>
      %swap3A_146 = arith.index_cast %add3A_75 : i32 to index
      %swap3A_147 = tpu.vector_load %arg7[%swap3A_146] {strides = array<i32>} : memref<512xf32, #tpu.memory_space<vmem>>, vector<16xf32>,
      %swap3A_148 = vector.shape_cast %swap3A_147 : vector<16xf32> to vector<16xf32>
      %swap3A_149 = vector.shape_cast %div3A_145 : vector<16xf32> to vector<16xf32>
      tpu.vector_store %arg7[%swap3A_146], %swap3A_149 {strides = array<i32>} : memref<512xf32, #tpu.memory_space<vmem>>, vector<16xf32>,
      %swap3A_150 = arith.index_cast %add3A_75 : i32 to index
      %swap3A_151 = tpu.vector_load %arg8[%swap3A_150] {strides = array<i32>} : memref<512xi32, #tpu.memory_space<vmem>>, vector<16xi32>,
      %swap3A_152 = vector.shape_cast %swap3A_151 : vector<16xi32> to vector<16xi32>
      %swap3A_153 = vector.shape_cast %scan3A_139#2 : vector<16xi32> to vector<16xi32>
      tpu.vector_store %arg8[%swap3A_150], %swap3A_153 {strides = array<i32>} : memref<512xi32, #tpu.memory_space<vmem>>, vector<16xi32>,
      %swap3A_154 = arith.index_cast %add3A_75 : i32 to index
      %swap3A_155 = tpu.vector_load %arg9[%swap3A_154] {strides = array<i32>} : memref<512xi32, #tpu.memory_space<vmem>>, vector<16xi32>,
      %swap3A_156 = vector.shape_cast %swap3A_155 : vector<16xi32> to vector<16xi32>
      %swap3A_157 = vector.shape_cast %scan3A_139#3 : vector<16xi32> to vector<16xi32>
      tpu.vector_store %arg9[%swap3A_154], %swap3A_157 {strides = array<i32>} : memref<512xi32, #tpu.memory_space<vmem>>, vector<16xi32>,
      %add3A_158 = arith.addf %scan3A_139#4, %scan3A_139#5 : vector<16xf32>
      %div3A_159 = arith.divf %scan3A_139#4, %add3A_158 : vector<16xf32>
      %swap3A_160 = arith.index_cast %add3A_79 : i32 to index
      %swap3A_161 = tpu.vector_load %arg6[%swap3A_160] {strides = array<i32>} : memref<512xf32, #tpu.memory_space<vmem>>, vector<16xf32>,
      %swap3A_162 = vector.shape_cast %swap3A_161 : vector<16xf32> to vector<16xf32>
      %swap3A_163 = vector.shape_cast %div3A_159 : vector<16xf32> to vector<16xf32>
      tpu.vector_store %arg6[%swap3A_160], %swap3A_163 {strides = array<i32>} : memref<512xf32, #tpu.memory_space<vmem>>, vector<16xf32>,
      %div3A_164 = arith.divf %scan3A_139#5, %add3A_158 : vector<16xf32>
      %swap3A_165 = arith.index_cast %add3A_79 : i32 to index
      %swap3A_166 = tpu.vector_load %arg7[%swap3A_165] {strides = array<i32>} : memref<512xf32, #tpu.memory_space<vmem>>, vector<16xf32>,
      %swap3A_167 = vector.shape_cast %swap3A_166 : vector<16xf32> to vector<16xf32>
      %swap3A_168 = vector.shape_cast %div3A_164 : vector<16xf32> to vector<16xf32>
      tpu.vector_store %arg7[%swap3A_165], %swap3A_168 {strides = array<i32>} : memref<512xf32, #tpu.memory_space<vmem>>, vector<16xf32>,
      %swap3A_169 = arith.index_cast %add3A_79 : i32 to index
      %swap3A_170 = tpu.vector_load %arg8[%swap3A_169] {strides = array<i32>} : memref<512xi32, #tpu.memory_space<vmem>>, vector<16xi32>,
      %swap3A_171 = vector.shape_cast %swap3A_170 : vector<16xi32> to vector<16xi32>
      %swap3A_172 = vector.shape_cast %scan3A_139#6 : vector<16xi32> to vector<16xi32>
      tpu.vector_store %arg8[%swap3A_169], %swap3A_172 {strides = array<i32>} : memref<512xi32, #tpu.memory_space<vmem>>, vector<16xi32>,
      %swap3A_173 = arith.index_cast %add3A_79 : i32 to index
      %swap3A_174 = tpu.vector_load %arg9[%swap3A_173] {strides = array<i32>} : memref<512xi32, #tpu.memory_space<vmem>>, vector<16xi32>,
      %swap3A_175 = vector.shape_cast %swap3A_174 : vector<16xi32> to vector<16xi32>
      %swap3A_176 = vector.shape_cast %scan3A_139#7 : vector<16xi32> to vector<16xi32>
      tpu.vector_store %arg9[%swap3A_173], %swap3A_176 {strides = array<i32>} : memref<512xi32, #tpu.memory_space<vmem>>, vector<16xi32>,
      %add3A_177 = arith.addf %scan3A_139#8, %scan3A_139#9 : vector<16xf32>
      %div3A_178 = arith.divf %scan3A_139#8, %add3A_177 : vector<16xf32>
      %swap3A_179 = arith.index_cast %add3A_83 : i32 to index
      %swap3A_180 = tpu.vector_load %arg6[%swap3A_179] {strides = array<i32>} : memref<512xf32, #tpu.memory_space<vmem>>, vector<16xf32>,
      %swap3A_181 = vector.shape_cast %swap3A_180 : vector<16xf32> to vector<16xf32>
      %swap3A_182 = vector.shape_cast %div3A_178 : vector<16xf32> to vector<16xf32>
      tpu.vector_store %arg6[%swap3A_179], %swap3A_182 {strides = array<i32>} : memref<512xf32, #tpu.memory_space<vmem>>, vector<16xf32>,
      %div3A_183 = arith.divf %scan3A_139#9, %add3A_177 : vector<16xf32>
      %swap3A_184 = arith.index_cast %add3A_83 : i32 to index
      %swap3A_185 = tpu.vector_load %arg7[%swap3A_184] {strides = array<i32>} : memref<512xf32, #tpu.memory_space<vmem>>, vector<16xf32>,
      %swap3A_186 = vector.shape_cast %swap3A_185 : vector<16xf32> to vector<16xf32>
      %swap3A_187 = vector.shape_cast %div3A_183 : vector<16xf32> to vector<16xf32>
      tpu.vector_store %arg7[%swap3A_184], %swap3A_187 {strides = array<i32>} : memref<512xf32, #tpu.memory_space<vmem>>, vector<16xf32>,
      %swap3A_188 = arith.index_cast %add3A_83 : i32 to index
      %swap3A_189 = tpu.vector_load %arg8[%swap3A_188] {strides = array<i32>} : memref<512xi32, #tpu.memory_space<vmem>>, vector<16xi32>,
      %swap3A_190 = vector.shape_cast %swap3A_189 : vector<16xi32> to vector<16xi32>
      %swap3A_191 = vector.shape_cast %scan3A_139#10 : vector<16xi32> to vector<16xi32>
      tpu.vector_store %arg8[%swap3A_188], %swap3A_191 {strides = array<i32>} : memref<512xi32, #tpu.memory_space<vmem>>, vector<16xi32>,
      %swap3A_192 = arith.index_cast %add3A_83 : i32 to index
      %swap3A_193 = tpu.vector_load %arg9[%swap3A_192] {strides = array<i32>} : memref<512xi32, #tpu.memory_space<vmem>>, vector<16xi32>,
      %swap3A_194 = vector.shape_cast %swap3A_193 : vector<16xi32> to vector<16xi32>
      %swap3A_195 = vector.shape_cast %scan3A_139#11 : vector<16xi32> to vector<16xi32>
      tpu.vector_store %arg9[%swap3A_192], %swap3A_195 {strides = array<i32>} : memref<512xi32, #tpu.memory_space<vmem>>, vector<16xi32>,
      %add3A_196 = arith.addf %scan3A_139#12, %scan3A_139#13 : vector<16xf32>
      %div3A_197 = arith.divf %scan3A_139#12, %add3A_196 : vector<16xf32>
      %swap3A_198 = arith.index_cast %add3A_87 : i32 to index
      %swap3A_199 = tpu.vector_load %arg6[%swap3A_198] {strides = array<i32>} : memref<512xf32, #tpu.memory_space<vmem>>, vector<16xf32>,
      %swap3A_200 = vector.shape_cast %swap3A_199 : vector<16xf32> to vector<16xf32>
      %swap3A_201 = vector.shape_cast %div3A_197 : vector<16xf32> to vector<16xf32>
      tpu.vector_store %arg6[%swap3A_198], %swap3A_201 {strides = array<i32>} : memref<512xf32, #tpu.memory_space<vmem>>, vector<16xf32>,
      %div3A_202 = arith.divf %scan3A_139#13, %add3A_196 : vector<16xf32>
      %swap3A_203 = arith.index_cast %add3A_87 : i32 to index
      %swap3A_204 = tpu.vector_load %arg7[%swap3A_203] {strides = array<i32>} : memref<512xf32, #tpu.memory_space<vmem>>, vector<16xf32>,
      %swap3A_205 = vector.shape_cast %swap3A_204 : vector<16xf32> to vector<16xf32>
      %swap3A_206 = vector.shape_cast %div3A_202 : vector<16xf32> to vector<16xf32>
      tpu.vector_store %arg7[%swap3A_203], %swap3A_206 {strides = array<i32>} : memref<512xf32, #tpu.memory_space<vmem>>, vector<16xf32>,
      %swap3A_207 = arith.index_cast %add3A_87 : i32 to index
      %swap3A_208 = tpu.vector_load %arg8[%swap3A_207] {strides = array<i32>} : memref<512xi32, #tpu.memory_space<vmem>>, vector<16xi32>,
      %swap3A_209 = vector.shape_cast %swap3A_208 : vector<16xi32> to vector<16xi32>
      %swap3A_210 = vector.shape_cast %scan3A_139#14 : vector<16xi32> to vector<16xi32>
      tpu.vector_store %arg8[%swap3A_207], %swap3A_210 {strides = array<i32>} : memref<512xi32, #tpu.memory_space<vmem>>, vector<16xi32>,
      %swap3A_211 = arith.index_cast %add3A_87 : i32 to index
      %swap3A_212 = tpu.vector_load %arg9[%swap3A_211] {strides = array<i32>} : memref<512xi32, #tpu.memory_space<vmem>>, vector<16xi32>,
      %swap3A_213 = vector.shape_cast %swap3A_212 : vector<16xi32> to vector<16xi32>
      %swap3A_214 = vector.shape_cast %scan3A_139#15 : vector<16xi32> to vector<16xi32>
      tpu.vector_store %arg9[%swap3A_211], %swap3A_214 {strides = array<i32>} : memref<512xi32, #tpu.memory_space<vmem>>, vector<16xi32>,
    }
    %scan3A_67 = arith.constant 8 : i32
    %run_scoped3A = arith.constant 0 : i32
    "tpu.region"() ({
      %run_scoped3A_71 = tpu.sem_alloc : memref<!tpu.dma_semaphore, #tpu.memory_space<semaphore_mem>>
      %dma_start3A_72 = tpu.memref_slice %arg3[%run_scoped3A, %mul3A_2] : memref<2x16384xf32, #tpu.memory_space<hbm>> -> memref<1x512xf32, #tpu.memory_space<hbm>>
      %dma_start3A_73 = tpu.memref_squeeze %dma_start3A_72 : memref<1x512xf32, #tpu.memory_space<hbm>> -> memref<512xf32, #tpu.memory_space<hbm>>
      %dma_start3A_74 = tpu.memref_slice %arg3[%run_scoped3A, %mul3A_2] : memref<2x16384xf32, #tpu.memory_space<hbm>> -> memref<1x512xf32, #tpu.memory_space<hbm>>
      %dma_start3A_75 = tpu.memref_squeeze %dma_start3A_74 : memref<1x512xf32, #tpu.memory_space<hbm>> -> memref<512xf32, #tpu.memory_space<hbm>>
      tpu.enqueue_dma source(%arg6 : memref<512xf32, #tpu.memory_space<vmem>>) target(%dma_start3A_75 : memref<512xf32, #tpu.memory_space<hbm>>) target_semaphore(%run_scoped3A_71 : memref<!tpu.dma_semaphore, #tpu.memory_space<semaphore_mem>>)
      %dma_wait3A_76 = tpu.memref_slice %arg3[%run_scoped3A, %mul3A_2] : memref<2x16384xf32, #tpu.memory_space<hbm>> -> memref<1x512xf32, #tpu.memory_space<hbm>>
      %dma_wait3A_77 = tpu.memref_squeeze %dma_wait3A_76 : memref<1x512xf32, #tpu.memory_space<hbm>> -> memref<512xf32, #tpu.memory_space<hbm>>
      %dma_wait3A_78 = tpu.memref_slice %arg3[%run_scoped3A, %mul3A_2] : memref<2x16384xf32, #tpu.memory_space<hbm>> -> memref<1x512xf32, #tpu.memory_space<hbm>>
      %dma_wait3A_79 = tpu.memref_squeeze %dma_wait3A_78 : memref<1x512xf32, #tpu.memory_space<hbm>> -> memref<512xf32, #tpu.memory_space<hbm>>
      tpu.wait_dma2 semaphore(%run_scoped3A_71 : memref<!tpu.dma_semaphore, #tpu.memory_space<semaphore_mem>>) src(%arg6 : memref<512xf32, #tpu.memory_space<vmem>>) dst(%dma_wait3A_79 : memref<512xf32, #tpu.memory_space<hbm>>)
      tpu.yield
    }) : () -> ()
    %run_scoped3A_68 = arith.constant 1 : i32
    "tpu.region"() ({
      %run_scoped3A_71 = tpu.sem_alloc : memref<!tpu.dma_semaphore, #tpu.memory_space<semaphore_mem>>
      %dma_start3A_72 = tpu.memref_slice %arg3[%run_scoped3A_68, %mul3A_2] : memref<2x16384xf32, #tpu.memory_space<hbm>> -> memref<1x512xf32, #tpu.memory_space<hbm>>
      %dma_start3A_73 = tpu.memref_squeeze %dma_start3A_72 : memref<1x512xf32, #tpu.memory_space<hbm>> -> memref<512xf32, #tpu.memory_space<hbm>>
      %dma_start3A_74 = tpu.memref_slice %arg3[%run_scoped3A_68, %mul3A_2] : memref<2x16384xf32, #tpu.memory_space<hbm>> -> memref<1x512xf32, #tpu.memory_space<hbm>>
      %dma_start3A_75 = tpu.memref_squeeze %dma_start3A_74 : memref<1x512xf32, #tpu.memory_space<hbm>> -> memref<512xf32, #tpu.memory_space<hbm>>
      tpu.enqueue_dma source(%arg7 : memref<512xf32, #tpu.memory_space<vmem>>) target(%dma_start3A_75 : memref<512xf32, #tpu.memory_space<hbm>>) target_semaphore(%run_scoped3A_71 : memref<!tpu.dma_semaphore, #tpu.memory_space<semaphore_mem>>)
      %dma_wait3A_76 = tpu.memref_slice %arg3[%run_scoped3A_68, %mul3A_2] : memref<2x16384xf32, #tpu.memory_space<hbm>> -> memref<1x512xf32, #tpu.memory_space<hbm>>
      %dma_wait3A_77 = tpu.memref_squeeze %dma_wait3A_76 : memref<1x512xf32, #tpu.memory_space<hbm>> -> memref<512xf32, #tpu.memory_space<hbm>>
      %dma_wait3A_78 = tpu.memref_slice %arg3[%run_scoped3A_68, %mul3A_2] : memref<2x16384xf32, #tpu.memory_space<hbm>> -> memref<1x512xf32, #tpu.memory_space<hbm>>
      %dma_wait3A_79 = tpu.memref_squeeze %dma_wait3A_78 : memref<1x512xf32, #tpu.memory_space<hbm>> -> memref<512xf32, #tpu.memory_space<hbm>>
      tpu.wait_dma2 semaphore(%run_scoped3A_71 : memref<!tpu.dma_semaphore, #tpu.memory_space<semaphore_mem>>) src(%arg7 : memref<512xf32, #tpu.memory_space<vmem>>) dst(%dma_wait3A_79 : memref<512xf32, #tpu.memory_space<hbm>>)
      tpu.yield
    }) : () -> ()
    %run_scoped3A_69 = arith.constant 0 : i32
    "tpu.region"() ({
      %run_scoped3A_71 = tpu.sem_alloc : memref<!tpu.dma_semaphore, #tpu.memory_space<semaphore_mem>>
      %dma_start3A_72 = tpu.memref_slice %arg4[%run_scoped3A_69, %mul3A_2] : memref<2x16384xi32, #tpu.memory_space<hbm>> -> memref<1x512xi32, #tpu.memory_space<hbm>>
      %dma_start3A_73 = tpu.memref_squeeze %dma_start3A_72 : memref<1x512xi32, #tpu.memory_space<hbm>> -> memref<512xi32, #tpu.memory_space<hbm>>
      %dma_start3A_74 = tpu.memref_slice %arg4[%run_scoped3A_69, %mul3A_2] : memref<2x16384xi32, #tpu.memory_space<hbm>> -> memref<1x512xi32, #tpu.memory_space<hbm>>
      %dma_start3A_75 = tpu.memref_squeeze %dma_start3A_74 : memref<1x512xi32, #tpu.memory_space<hbm>> -> memref<512xi32, #tpu.memory_space<hbm>>
      tpu.enqueue_dma source(%arg8 : memref<512xi32, #tpu.memory_space<vmem>>) target(%dma_start3A_75 : memref<512xi32, #tpu.memory_space<hbm>>) target_semaphore(%run_scoped3A_71 : memref<!tpu.dma_semaphore, #tpu.memory_space<semaphore_mem>>)
      %dma_wait3A_76 = tpu.memref_slice %arg4[%run_scoped3A_69, %mul3A_2] : memref<2x16384xi32, #tpu.memory_space<hbm>> -> memref<1x512xi32, #tpu.memory_space<hbm>>
      %dma_wait3A_77 = tpu.memref_squeeze %dma_wait3A_76 : memref<1x512xi32, #tpu.memory_space<hbm>> -> memref<512xi32, #tpu.memory_space<hbm>>
      %dma_wait3A_78 = tpu.memref_slice %arg4[%run_scoped3A_69, %mul3A_2] : memref<2x16384xi32, #tpu.memory_space<hbm>> -> memref<1x512xi32, #tpu.memory_space<hbm>>
      %dma_wait3A_79 = tpu.memref_squeeze %dma_wait3A_78 : memref<1x512xi32, #tpu.memory_space<hbm>> -> memref<512xi32, #tpu.memory_space<hbm>>
      tpu.wait_dma2 semaphore(%run_scoped3A_71 : memref<!tpu.dma_semaphore, #tpu.memory_space<semaphore_mem>>) src(%arg8 : memref<512xi32, #tpu.memory_space<vmem>>) dst(%dma_wait3A_79 : memref<512xi32, #tpu.memory_space<hbm>>)
      tpu.yield
    }) : () -> ()
    %run_scoped3A_70 = arith.constant 1 : i32
    "tpu.region"() ({
      %run_scoped3A_71 = tpu.sem_alloc : memref<!tpu.dma_semaphore, #tpu.memory_space<semaphore_mem>>
      %dma_start3A_72 = tpu.memref_slice %arg4[%run_scoped3A_70, %mul3A_2] : memref<2x16384xi32, #tpu.memory_space<hbm>> -> memref<1x512xi32, #tpu.memory_space<hbm>>
      %dma_start3A_73 = tpu.memref_squeeze %dma_start3A_72 : memref<1x512xi32, #tpu.memory_space<hbm>> -> memref<512xi32, #tpu.memory_space<hbm>>
      %dma_start3A_74 = tpu.memref_slice %arg4[%run_scoped3A_70, %mul3A_2] : memref<2x16384xi32, #tpu.memory_space<hbm>> -> memref<1x512xi32, #tpu.memory_space<hbm>>
      %dma_start3A_75 = tpu.memref_squeeze %dma_start3A_74 : memref<1x512xi32, #tpu.memory_space<hbm>> -> memref<512xi32, #tpu.memory_space<hbm>>
      tpu.enqueue_dma source(%arg9 : memref<512xi32, #tpu.memory_space<vmem>>) target(%dma_start3A_75 : memref<512xi32, #tpu.memory_space<hbm>>) target_semaphore(%run_scoped3A_71 : memref<!tpu.dma_semaphore, #tpu.memory_space<semaphore_mem>>)
      %dma_wait3A_76 = tpu.memref_slice %arg4[%run_scoped3A_70, %mul3A_2] : memref<2x16384xi32, #tpu.memory_space<hbm>> -> memref<1x512xi32, #tpu.memory_space<hbm>>
      %dma_wait3A_77 = tpu.memref_squeeze %dma_wait3A_76 : memref<1x512xi32, #tpu.memory_space<hbm>> -> memref<512xi32, #tpu.memory_space<hbm>>
      %dma_wait3A_78 = tpu.memref_slice %arg4[%run_scoped3A_70, %mul3A_2] : memref<2x16384xi32, #tpu.memory_space<hbm>> -> memref<1x512xi32, #tpu.memory_space<hbm>>
      %dma_wait3A_79 = tpu.memref_squeeze %dma_wait3A_78 : memref<1x512xi32, #tpu.memory_space<hbm>> -> memref<512xi32, #tpu.memory_space<hbm>>
      tpu.wait_dma2 semaphore(%run_scoped3A_71 : memref<!tpu.dma_semaphore, #tpu.memory_space<semaphore_mem>>) src(%arg9 : memref<512xi32, #tpu.memory_space<vmem>>) dst(%dma_wait3A_79 : memref<512xi32, #tpu.memory_space<hbm>>)
      tpu.yield
    }) : () -> ()
    return
  }
}

module attributes {stable_mosaic.version = 14 : i64} {
  func.func @_score_body(%arg0: memref<211x16384xf32, #tpu.memory_space<vmem>>, %arg1: memref<100x211xf32, #tpu.memory_space<vmem>>, %arg2: memref<1x100xf32, #tpu.memory_space<vmem>>, %arg3: memref<32x104x512xf32, #tpu.memory_space<vmem>>) attributes {dimension_semantics = [], scalar_prefetch = 0 : i64, scratch_operands = 0 : i64, tpu.core_type = #tpu.core_type<tc>} {
    %get3A = arith.constant 0 : index
    %get3A_0 = arith.constant 0 : index
    %get3A_1 = vector.load %arg1[%get3A, %get3A_0] : memref<100x211xf32, #tpu.memory_space<vmem>>, vector<100x211xf32>
    %broadcast_in_dim3A = arith.constant 0.000000e+00 : f32
    %broadcast_in_dim3A_2 = vector.broadcast %broadcast_in_dim3A : f32 to vector<4x211xf32>
    %concatenate3A = tpu.concatenate %get3A_1, %broadcast_in_dim3A_2 in 0 : vector<100x211xf32>, vector<4x211xf32> -> vector<104x211xf32>
    %get3A_3 = arith.constant 0 : index
    %get3A_4 = arith.constant 0 : index
    %get3A_5 = vector.load %arg2[%get3A_3, %get3A_4] : memref<1x100xf32, #tpu.memory_space<vmem>>, vector<1x100xf32>
    %broadcast_in_dim3A_6 = arith.constant 0.000000e+00 : f32
    %broadcast_in_dim3A_7 = vector.broadcast %broadcast_in_dim3A_6 : f32 to vector<1x4xf32>
    %concatenate3A_8 = tpu.concatenate %get3A_5, %broadcast_in_dim3A_7 in 1 : vector<1x100xf32>, vector<1x4xf32> -> vector<1x104xf32>
    %transpose3A = tpu.transpose %concatenate3A_8, [1, 0] : vector<1x104xf32> -> vector<104x1xf32>
    %get3A_9 = arith.constant 0 : index
    %get3A_10 = arith.constant 0 : index
    %get3A_11 = vector.load %arg0[%get3A_9, %get3A_10] : memref<211x16384xf32, #tpu.memory_space<vmem>>, vector<211x2048xf32>
    %dot_general3A = arith.constant dense<0.000000e+00> : vector<104x2048xf32>
    %dot_general3A_12 = tpu.matmul %concatenate3A, %get3A_11, %dot_general3A {dimension_numbers = #tpu.dot_dimension_numbers<[1], [0], [0], [1], [0, 0, 1, 1], [], []>, transpose_lhs_hint = false} : vector<104x211xf32>, vector<211x2048xf32>, vector<104x2048xf32> -> vector<104x2048xf32>
    %add3A = vector.broadcast %transpose3A : vector<104x1xf32> to vector<104x2048xf32>
    %add3A_13 = arith.addf %dot_general3A_12, %add3A : vector<104x2048xf32>
    %logistic3A = arith.negf %add3A_13 : vector<104x2048xf32>
    %logistic3A_14 = math.exp %logistic3A : vector<104x2048xf32>
    %logistic3A_15 = arith.constant 1.000000e+00 : f32
    %logistic3A_16 = vector.broadcast %logistic3A_15 : f32 to vector<104x2048xf32>
    %logistic3A_17 = arith.addf %logistic3A_16, %logistic3A_14 : vector<104x2048xf32>
    %logistic3A_18 = arith.divf %logistic3A_16, %logistic3A_17 : vector<104x2048xf32>
    %slice3A = vector.extract_strided_slice %logistic3A_18 {offsets = [0, 0], sizes = [104, 512], strides = [1, 1]} : vector<104x2048xf32> to vector<104x512xf32>
    %broadcast_in_dim3A_19 = vector.shape_cast %slice3A : vector<104x512xf32> to vector<1x104x512xf32>
    %swap3A = arith.constant 0 : index
    %swap3A_20 = arith.constant 0 : index
    %swap3A_21 = arith.constant 0 : index
    %swap3A_22 = vector.load %arg3[%swap3A, %swap3A_20, %swap3A_21] : memref<32x104x512xf32, #tpu.memory_space<vmem>>, vector<1x104x512xf32>
    tpu.vector_store %arg3[%swap3A, %swap3A_20, %swap3A_21], %broadcast_in_dim3A_19 {strides = array<i32>} : memref<32x104x512xf32, #tpu.memory_space<vmem>>, vector<1x104x512xf32>,
    %slice3A_23 = vector.extract_strided_slice %logistic3A_18 {offsets = [0, 512], sizes = [104, 512], strides = [1, 1]} : vector<104x2048xf32> to vector<104x512xf32>
    %broadcast_in_dim3A_24 = vector.shape_cast %slice3A_23 : vector<104x512xf32> to vector<1x104x512xf32>
    %swap3A_25 = arith.constant 1 : index
    %swap3A_26 = arith.constant 0 : index
    %swap3A_27 = arith.constant 0 : index
    %swap3A_28 = vector.load %arg3[%swap3A_25, %swap3A_26, %swap3A_27] : memref<32x104x512xf32, #tpu.memory_space<vmem>>, vector<1x104x512xf32>
    tpu.vector_store %arg3[%swap3A_25, %swap3A_26, %swap3A_27], %broadcast_in_dim3A_24 {strides = array<i32>} : memref<32x104x512xf32, #tpu.memory_space<vmem>>, vector<1x104x512xf32>,
    %slice3A_29 = vector.extract_strided_slice %logistic3A_18 {offsets = [0, 1024], sizes = [104, 512], strides = [1, 1]} : vector<104x2048xf32> to vector<104x512xf32>
    %broadcast_in_dim3A_30 = vector.shape_cast %slice3A_29 : vector<104x512xf32> to vector<1x104x512xf32>
    %swap3A_31 = arith.constant 2 : index
    %swap3A_32 = arith.constant 0 : index
    %swap3A_33 = arith.constant 0 : index
    %swap3A_34 = vector.load %arg3[%swap3A_31, %swap3A_32, %swap3A_33] : memref<32x104x512xf32, #tpu.memory_space<vmem>>, vector<1x104x512xf32>
    tpu.vector_store %arg3[%swap3A_31, %swap3A_32, %swap3A_33], %broadcast_in_dim3A_30 {strides = array<i32>} : memref<32x104x512xf32, #tpu.memory_space<vmem>>, vector<1x104x512xf32>,
    %slice3A_35 = vector.extract_strided_slice %logistic3A_18 {offsets = [0, 1536], sizes = [104, 512], strides = [1, 1]} : vector<104x2048xf32> to vector<104x512xf32>
    %broadcast_in_dim3A_36 = vector.shape_cast %slice3A_35 : vector<104x512xf32> to vector<1x104x512xf32>
    %swap3A_37 = arith.constant 3 : index
    %swap3A_38 = arith.constant 0 : index
    %swap3A_39 = arith.constant 0 : index
    %swap3A_40 = vector.load %arg3[%swap3A_37, %swap3A_38, %swap3A_39] : memref<32x104x512xf32, #tpu.memory_space<vmem>>, vector<1x104x512xf32>
    tpu.vector_store %arg3[%swap3A_37, %swap3A_38, %swap3A_39], %broadcast_in_dim3A_36 {strides = array<i32>} : memref<32x104x512xf32, #tpu.memory_space<vmem>>, vector<1x104x512xf32>,
    %get3A_41 = arith.constant 0 : index
    %get3A_42 = arith.constant 2048 : index
    %get3A_43 = vector.load %arg0[%get3A_41, %get3A_42] : memref<211x16384xf32, #tpu.memory_space<vmem>>, vector<211x2048xf32>
    %dot_general3A_44 = arith.constant dense<0.000000e+00> : vector<104x2048xf32>
    %dot_general3A_45 = tpu.matmul %concatenate3A, %get3A_43, %dot_general3A_44 {dimension_numbers = #tpu.dot_dimension_numbers<[1], [0], [0], [1], [0, 0, 1, 1], [], []>, transpose_lhs_hint = false} : vector<104x211xf32>, vector<211x2048xf32>, vector<104x2048xf32> -> vector<104x2048xf32>
    %add3A_46 = vector.broadcast %transpose3A : vector<104x1xf32> to vector<104x2048xf32>
    %add3A_47 = arith.addf %dot_general3A_45, %add3A_46 : vector<104x2048xf32>
    %logistic3A_48 = arith.negf %add3A_47 : vector<104x2048xf32>
    %logistic3A_49 = math.exp %logistic3A_48 : vector<104x2048xf32>
    %logistic3A_50 = arith.constant 1.000000e+00 : f32
    %logistic3A_51 = vector.broadcast %logistic3A_50 : f32 to vector<104x2048xf32>
    %logistic3A_52 = arith.addf %logistic3A_51, %logistic3A_49 : vector<104x2048xf32>
    %logistic3A_53 = arith.divf %logistic3A_51, %logistic3A_52 : vector<104x2048xf32>
    %slice3A_54 = vector.extract_strided_slice %logistic3A_53 {offsets = [0, 0], sizes = [104, 512], strides = [1, 1]} : vector<104x2048xf32> to vector<104x512xf32>
    %broadcast_in_dim3A_55 = vector.shape_cast %slice3A_54 : vector<104x512xf32> to vector<1x104x512xf32>
    %swap3A_56 = arith.constant 4 : index
    %swap3A_57 = arith.constant 0 : index
    %swap3A_58 = arith.constant 0 : index
    %swap3A_59 = vector.load %arg3[%swap3A_56, %swap3A_57, %swap3A_58] : memref<32x104x512xf32, #tpu.memory_space<vmem>>, vector<1x104x512xf32>
    tpu.vector_store %arg3[%swap3A_56, %swap3A_57, %swap3A_58], %broadcast_in_dim3A_55 {strides = array<i32>} : memref<32x104x512xf32, #tpu.memory_space<vmem>>, vector<1x104x512xf32>,
    %slice3A_60 = vector.extract_strided_slice %logistic3A_53 {offsets = [0, 512], sizes = [104, 512], strides = [1, 1]} : vector<104x2048xf32> to vector<104x512xf32>
    %broadcast_in_dim3A_61 = vector.shape_cast %slice3A_60 : vector<104x512xf32> to vector<1x104x512xf32>
    %swap3A_62 = arith.constant 5 : index
    %swap3A_63 = arith.constant 0 : index
    %swap3A_64 = arith.constant 0 : index
    %swap3A_65 = vector.load %arg3[%swap3A_62, %swap3A_63, %swap3A_64] : memref<32x104x512xf32, #tpu.memory_space<vmem>>, vector<1x104x512xf32>
    tpu.vector_store %arg3[%swap3A_62, %swap3A_63, %swap3A_64], %broadcast_in_dim3A_61 {strides = array<i32>} : memref<32x104x512xf32, #tpu.memory_space<vmem>>, vector<1x104x512xf32>,
    %slice3A_66 = vector.extract_strided_slice %logistic3A_53 {offsets = [0, 1024], sizes = [104, 512], strides = [1, 1]} : vector<104x2048xf32> to vector<104x512xf32>
    %broadcast_in_dim3A_67 = vector.shape_cast %slice3A_66 : vector<104x512xf32> to vector<1x104x512xf32>
    %swap3A_68 = arith.constant 6 : index
    %swap3A_69 = arith.constant 0 : index
    %swap3A_70 = arith.constant 0 : index
    %swap3A_71 = vector.load %arg3[%swap3A_68, %swap3A_69, %swap3A_70] : memref<32x104x512xf32, #tpu.memory_space<vmem>>, vector<1x104x512xf32>
    tpu.vector_store %arg3[%swap3A_68, %swap3A_69, %swap3A_70], %broadcast_in_dim3A_67 {strides = array<i32>} : memref<32x104x512xf32, #tpu.memory_space<vmem>>, vector<1x104x512xf32>,
    %slice3A_72 = vector.extract_strided_slice %logistic3A_53 {offsets = [0, 1536], sizes = [104, 512], strides = [1, 1]} : vector<104x2048xf32> to vector<104x512xf32>
    %broadcast_in_dim3A_73 = vector.shape_cast %slice3A_72 : vector<104x512xf32> to vector<1x104x512xf32>
    %swap3A_74 = arith.constant 7 : index
    %swap3A_75 = arith.constant 0 : index
    %swap3A_76 = arith.constant 0 : index
    %swap3A_77 = vector.load %arg3[%swap3A_74, %swap3A_75, %swap3A_76] : memref<32x104x512xf32, #tpu.memory_space<vmem>>, vector<1x104x512xf32>
    tpu.vector_store %arg3[%swap3A_74, %swap3A_75, %swap3A_76], %broadcast_in_dim3A_73 {strides = array<i32>} : memref<32x104x512xf32, #tpu.memory_space<vmem>>, vector<1x104x512xf32>,
    %get3A_78 = arith.constant 0 : index
    %get3A_79 = arith.constant 4096 : index
    %get3A_80 = vector.load %arg0[%get3A_78, %get3A_79] : memref<211x16384xf32, #tpu.memory_space<vmem>>, vector<211x2048xf32>
    %dot_general3A_81 = arith.constant dense<0.000000e+00> : vector<104x2048xf32>
    %dot_general3A_82 = tpu.matmul %concatenate3A, %get3A_80, %dot_general3A_81 {dimension_numbers = #tpu.dot_dimension_numbers<[1], [0], [0], [1], [0, 0, 1, 1], [], []>, transpose_lhs_hint = false} : vector<104x211xf32>, vector<211x2048xf32>, vector<104x2048xf32> -> vector<104x2048xf32>
    %add3A_83 = vector.broadcast %transpose3A : vector<104x1xf32> to vector<104x2048xf32>
    %add3A_84 = arith.addf %dot_general3A_82, %add3A_83 : vector<104x2048xf32>
    %logistic3A_85 = arith.negf %add3A_84 : vector<104x2048xf32>
    %logistic3A_86 = math.exp %logistic3A_85 : vector<104x2048xf32>
    %logistic3A_87 = arith.constant 1.000000e+00 : f32
    %logistic3A_88 = vector.broadcast %logistic3A_87 : f32 to vector<104x2048xf32>
    %logistic3A_89 = arith.addf %logistic3A_88, %logistic3A_86 : vector<104x2048xf32>
    %logistic3A_90 = arith.divf %logistic3A_88, %logistic3A_89 : vector<104x2048xf32>
    %slice3A_91 = vector.extract_strided_slice %logistic3A_90 {offsets = [0, 0], sizes = [104, 512], strides = [1, 1]} : vector<104x2048xf32> to vector<104x512xf32>
    %broadcast_in_dim3A_92 = vector.shape_cast %slice3A_91 : vector<104x512xf32> to vector<1x104x512xf32>
    %swap3A_93 = arith.constant 8 : index
    %swap3A_94 = arith.constant 0 : index
    %swap3A_95 = arith.constant 0 : index
    %swap3A_96 = vector.load %arg3[%swap3A_93, %swap3A_94, %swap3A_95] : memref<32x104x512xf32, #tpu.memory_space<vmem>>, vector<1x104x512xf32>
    tpu.vector_store %arg3[%swap3A_93, %swap3A_94, %swap3A_95], %broadcast_in_dim3A_92 {strides = array<i32>} : memref<32x104x512xf32, #tpu.memory_space<vmem>>, vector<1x104x512xf32>,
    %slice3A_97 = vector.extract_strided_slice %logistic3A_90 {offsets = [0, 512], sizes = [104, 512], strides = [1, 1]} : vector<104x2048xf32> to vector<104x512xf32>
    %broadcast_in_dim3A_98 = vector.shape_cast %slice3A_97 : vector<104x512xf32> to vector<1x104x512xf32>
    %swap3A_99 = arith.constant 9 : index
    %swap3A_100 = arith.constant 0 : index
    %swap3A_101 = arith.constant 0 : index
    %swap3A_102 = vector.load %arg3[%swap3A_99, %swap3A_100, %swap3A_101] : memref<32x104x512xf32, #tpu.memory_space<vmem>>, vector<1x104x512xf32>
    tpu.vector_store %arg3[%swap3A_99, %swap3A_100, %swap3A_101], %broadcast_in_dim3A_98 {strides = array<i32>} : memref<32x104x512xf32, #tpu.memory_space<vmem>>, vector<1x104x512xf32>,
    %slice3A_103 = vector.extract_strided_slice %logistic3A_90 {offsets = [0, 1024], sizes = [104, 512], strides = [1, 1]} : vector<104x2048xf32> to vector<104x512xf32>
    %broadcast_in_dim3A_104 = vector.shape_cast %slice3A_103 : vector<104x512xf32> to vector<1x104x512xf32>
    %swap3A_105 = arith.constant 10 : index
    %swap3A_106 = arith.constant 0 : index
    %swap3A_107 = arith.constant 0 : index
    %swap3A_108 = vector.load %arg3[%swap3A_105, %swap3A_106, %swap3A_107] : memref<32x104x512xf32, #tpu.memory_space<vmem>>, vector<1x104x512xf32>
    tpu.vector_store %arg3[%swap3A_105, %swap3A_106, %swap3A_107], %broadcast_in_dim3A_104 {strides = array<i32>} : memref<32x104x512xf32, #tpu.memory_space<vmem>>, vector<1x104x512xf32>,
    %slice3A_109 = vector.extract_strided_slice %logistic3A_90 {offsets = [0, 1536], sizes = [104, 512], strides = [1, 1]} : vector<104x2048xf32> to vector<104x512xf32>
    %broadcast_in_dim3A_110 = vector.shape_cast %slice3A_109 : vector<104x512xf32> to vector<1x104x512xf32>
    %swap3A_111 = arith.constant 11 : index
    %swap3A_112 = arith.constant 0 : index
    %swap3A_113 = arith.constant 0 : index
    %swap3A_114 = vector.load %arg3[%swap3A_111, %swap3A_112, %swap3A_113] : memref<32x104x512xf32, #tpu.memory_space<vmem>>, vector<1x104x512xf32>
    tpu.vector_store %arg3[%swap3A_111, %swap3A_112, %swap3A_113], %broadcast_in_dim3A_110 {strides = array<i32>} : memref<32x104x512xf32, #tpu.memory_space<vmem>>, vector<1x104x512xf32>,
    %get3A_115 = arith.constant 0 : index
    %get3A_116 = arith.constant 6144 : index
    %get3A_117 = vector.load %arg0[%get3A_115, %get3A_116] : memref<211x16384xf32, #tpu.memory_space<vmem>>, vector<211x2048xf32>
    %dot_general3A_118 = arith.constant dense<0.000000e+00> : vector<104x2048xf32>
    %dot_general3A_119 = tpu.matmul %concatenate3A, %get3A_117, %dot_general3A_118 {dimension_numbers = #tpu.dot_dimension_numbers<[1], [0], [0], [1], [0, 0, 1, 1], [], []>, transpose_lhs_hint = false} : vector<104x211xf32>, vector<211x2048xf32>, vector<104x2048xf32> -> vector<104x2048xf32>
    %add3A_120 = vector.broadcast %transpose3A : vector<104x1xf32> to vector<104x2048xf32>
    %add3A_121 = arith.addf %dot_general3A_119, %add3A_120 : vector<104x2048xf32>
    %logistic3A_122 = arith.negf %add3A_121 : vector<104x2048xf32>
    %logistic3A_123 = math.exp %logistic3A_122 : vector<104x2048xf32>
    %logistic3A_124 = arith.constant 1.000000e+00 : f32
    %logistic3A_125 = vector.broadcast %logistic3A_124 : f32 to vector<104x2048xf32>
    %logistic3A_126 = arith.addf %logistic3A_125, %logistic3A_123 : vector<104x2048xf32>
    %logistic3A_127 = arith.divf %logistic3A_125, %logistic3A_126 : vector<104x2048xf32>
    %slice3A_128 = vector.extract_strided_slice %logistic3A_127 {offsets = [0, 0], sizes = [104, 512], strides = [1, 1]} : vector<104x2048xf32> to vector<104x512xf32>
    %broadcast_in_dim3A_129 = vector.shape_cast %slice3A_128 : vector<104x512xf32> to vector<1x104x512xf32>
    %swap3A_130 = arith.constant 12 : index
    %swap3A_131 = arith.constant 0 : index
    %swap3A_132 = arith.constant 0 : index
    %swap3A_133 = vector.load %arg3[%swap3A_130, %swap3A_131, %swap3A_132] : memref<32x104x512xf32, #tpu.memory_space<vmem>>, vector<1x104x512xf32>
    tpu.vector_store %arg3[%swap3A_130, %swap3A_131, %swap3A_132], %broadcast_in_dim3A_129 {strides = array<i32>} : memref<32x104x512xf32, #tpu.memory_space<vmem>>, vector<1x104x512xf32>,
    %slice3A_134 = vector.extract_strided_slice %logistic3A_127 {offsets = [0, 512], sizes = [104, 512], strides = [1, 1]} : vector<104x2048xf32> to vector<104x512xf32>
    %broadcast_in_dim3A_135 = vector.shape_cast %slice3A_134 : vector<104x512xf32> to vector<1x104x512xf32>
    %swap3A_136 = arith.constant 13 : index
    %swap3A_137 = arith.constant 0 : index
    %swap3A_138 = arith.constant 0 : index
    %swap3A_139 = vector.load %arg3[%swap3A_136, %swap3A_137, %swap3A_138] : memref<32x104x512xf32, #tpu.memory_space<vmem>>, vector<1x104x512xf32>
    tpu.vector_store %arg3[%swap3A_136, %swap3A_137, %swap3A_138], %broadcast_in_dim3A_135 {strides = array<i32>} : memref<32x104x512xf32, #tpu.memory_space<vmem>>, vector<1x104x512xf32>,
    %slice3A_140 = vector.extract_strided_slice %logistic3A_127 {offsets = [0, 1024], sizes = [104, 512], strides = [1, 1]} : vector<104x2048xf32> to vector<104x512xf32>
    %broadcast_in_dim3A_141 = vector.shape_cast %slice3A_140 : vector<104x512xf32> to vector<1x104x512xf32>
    %swap3A_142 = arith.constant 14 : index
    %swap3A_143 = arith.constant 0 : index
    %swap3A_144 = arith.constant 0 : index
    %swap3A_145 = vector.load %arg3[%swap3A_142, %swap3A_143, %swap3A_144] : memref<32x104x512xf32, #tpu.memory_space<vmem>>, vector<1x104x512xf32>
    tpu.vector_store %arg3[%swap3A_142, %swap3A_143, %swap3A_144], %broadcast_in_dim3A_141 {strides = array<i32>} : memref<32x104x512xf32, #tpu.memory_space<vmem>>, vector<1x104x512xf32>,
    %slice3A_146 = vector.extract_strided_slice %logistic3A_127 {offsets = [0, 1536], sizes = [104, 512], strides = [1, 1]} : vector<104x2048xf32> to vector<104x512xf32>
    %broadcast_in_dim3A_147 = vector.shape_cast %slice3A_146 : vector<104x512xf32> to vector<1x104x512xf32>
    %swap3A_148 = arith.constant 15 : index
    %swap3A_149 = arith.constant 0 : index
    %swap3A_150 = arith.constant 0 : index
    %swap3A_151 = vector.load %arg3[%swap3A_148, %swap3A_149, %swap3A_150] : memref<32x104x512xf32, #tpu.memory_space<vmem>>, vector<1x104x512xf32>
    tpu.vector_store %arg3[%swap3A_148, %swap3A_149, %swap3A_150], %broadcast_in_dim3A_147 {strides = array<i32>} : memref<32x104x512xf32, #tpu.memory_space<vmem>>, vector<1x104x512xf32>,
    %get3A_152 = arith.constant 0 : index
    %get3A_153 = arith.constant 8192 : index
    %get3A_154 = vector.load %arg0[%get3A_152, %get3A_153] : memref<211x16384xf32, #tpu.memory_space<vmem>>, vector<211x2048xf32>
    %dot_general3A_155 = arith.constant dense<0.000000e+00> : vector<104x2048xf32>
    %dot_general3A_156 = tpu.matmul %concatenate3A, %get3A_154, %dot_general3A_155 {dimension_numbers = #tpu.dot_dimension_numbers<[1], [0], [0], [1], [0, 0, 1, 1], [], []>, transpose_lhs_hint = false} : vector<104x211xf32>, vector<211x2048xf32>, vector<104x2048xf32> -> vector<104x2048xf32>
    %add3A_157 = vector.broadcast %transpose3A : vector<104x1xf32> to vector<104x2048xf32>
    %add3A_158 = arith.addf %dot_general3A_156, %add3A_157 : vector<104x2048xf32>
    %logistic3A_159 = arith.negf %add3A_158 : vector<104x2048xf32>
    %logistic3A_160 = math.exp %logistic3A_159 : vector<104x2048xf32>
    %logistic3A_161 = arith.constant 1.000000e+00 : f32
    %logistic3A_162 = vector.broadcast %logistic3A_161 : f32 to vector<104x2048xf32>
    %logistic3A_163 = arith.addf %logistic3A_162, %logistic3A_160 : vector<104x2048xf32>
    %logistic3A_164 = arith.divf %logistic3A_162, %logistic3A_163 : vector<104x2048xf32>
    %slice3A_165 = vector.extract_strided_slice %logistic3A_164 {offsets = [0, 0], sizes = [104, 512], strides = [1, 1]} : vector<104x2048xf32> to vector<104x512xf32>
    %broadcast_in_dim3A_166 = vector.shape_cast %slice3A_165 : vector<104x512xf32> to vector<1x104x512xf32>
    %swap3A_167 = arith.constant 16 : index
    %swap3A_168 = arith.constant 0 : index
    %swap3A_169 = arith.constant 0 : index
    %swap3A_170 = vector.load %arg3[%swap3A_167, %swap3A_168, %swap3A_169] : memref<32x104x512xf32, #tpu.memory_space<vmem>>, vector<1x104x512xf32>
    tpu.vector_store %arg3[%swap3A_167, %swap3A_168, %swap3A_169], %broadcast_in_dim3A_166 {strides = array<i32>} : memref<32x104x512xf32, #tpu.memory_space<vmem>>, vector<1x104x512xf32>,
    %slice3A_171 = vector.extract_strided_slice %logistic3A_164 {offsets = [0, 512], sizes = [104, 512], strides = [1, 1]} : vector<104x2048xf32> to vector<104x512xf32>
    %broadcast_in_dim3A_172 = vector.shape_cast %slice3A_171 : vector<104x512xf32> to vector<1x104x512xf32>
    %swap3A_173 = arith.constant 17 : index
    %swap3A_174 = arith.constant 0 : index
    %swap3A_175 = arith.constant 0 : index
    %swap3A_176 = vector.load %arg3[%swap3A_173, %swap3A_174, %swap3A_175] : memref<32x104x512xf32, #tpu.memory_space<vmem>>, vector<1x104x512xf32>
    tpu.vector_store %arg3[%swap3A_173, %swap3A_174, %swap3A_175], %broadcast_in_dim3A_172 {strides = array<i32>} : memref<32x104x512xf32, #tpu.memory_space<vmem>>, vector<1x104x512xf32>,
    %slice3A_177 = vector.extract_strided_slice %logistic3A_164 {offsets = [0, 1024], sizes = [104, 512], strides = [1, 1]} : vector<104x2048xf32> to vector<104x512xf32>
    %broadcast_in_dim3A_178 = vector.shape_cast %slice3A_177 : vector<104x512xf32> to vector<1x104x512xf32>
    %swap3A_179 = arith.constant 18 : index
    %swap3A_180 = arith.constant 0 : index
    %swap3A_181 = arith.constant 0 : index
    %swap3A_182 = vector.load %arg3[%swap3A_179, %swap3A_180, %swap3A_181] : memref<32x104x512xf32, #tpu.memory_space<vmem>>, vector<1x104x512xf32>
    tpu.vector_store %arg3[%swap3A_179, %swap3A_180, %swap3A_181], %broadcast_in_dim3A_178 {strides = array<i32>} : memref<32x104x512xf32, #tpu.memory_space<vmem>>, vector<1x104x512xf32>,
    %slice3A_183 = vector.extract_strided_slice %logistic3A_164 {offsets = [0, 1536], sizes = [104, 512], strides = [1, 1]} : vector<104x2048xf32> to vector<104x512xf32>
    %broadcast_in_dim3A_184 = vector.shape_cast %slice3A_183 : vector<104x512xf32> to vector<1x104x512xf32>
    %swap3A_185 = arith.constant 19 : index
    %swap3A_186 = arith.constant 0 : index
    %swap3A_187 = arith.constant 0 : index
    %swap3A_188 = vector.load %arg3[%swap3A_185, %swap3A_186, %swap3A_187] : memref<32x104x512xf32, #tpu.memory_space<vmem>>, vector<1x104x512xf32>
    tpu.vector_store %arg3[%swap3A_185, %swap3A_186, %swap3A_187], %broadcast_in_dim3A_184 {strides = array<i32>} : memref<32x104x512xf32, #tpu.memory_space<vmem>>, vector<1x104x512xf32>,
    %get3A_189 = arith.constant 0 : index
    %get3A_190 = arith.constant 10240 : index
    %get3A_191 = vector.load %arg0[%get3A_189, %get3A_190] : memref<211x16384xf32, #tpu.memory_space<vmem>>, vector<211x2048xf32>
    %dot_general3A_192 = arith.constant dense<0.000000e+00> : vector<104x2048xf32>
    %dot_general3A_193 = tpu.matmul %concatenate3A, %get3A_191, %dot_general3A_192 {dimension_numbers = #tpu.dot_dimension_numbers<[1], [0], [0], [1], [0, 0, 1, 1], [], []>, transpose_lhs_hint = false} : vector<104x211xf32>, vector<211x2048xf32>, vector<104x2048xf32> -> vector<104x2048xf32>
    %add3A_194 = vector.broadcast %transpose3A : vector<104x1xf32> to vector<104x2048xf32>
    %add3A_195 = arith.addf %dot_general3A_193, %add3A_194 : vector<104x2048xf32>
    %logistic3A_196 = arith.negf %add3A_195 : vector<104x2048xf32>
    %logistic3A_197 = math.exp %logistic3A_196 : vector<104x2048xf32>
    %logistic3A_198 = arith.constant 1.000000e+00 : f32
    %logistic3A_199 = vector.broadcast %logistic3A_198 : f32 to vector<104x2048xf32>
    %logistic3A_200 = arith.addf %logistic3A_199, %logistic3A_197 : vector<104x2048xf32>
    %logistic3A_201 = arith.divf %logistic3A_199, %logistic3A_200 : vector<104x2048xf32>
    %slice3A_202 = vector.extract_strided_slice %logistic3A_201 {offsets = [0, 0], sizes = [104, 512], strides = [1, 1]} : vector<104x2048xf32> to vector<104x512xf32>
    %broadcast_in_dim3A_203 = vector.shape_cast %slice3A_202 : vector<104x512xf32> to vector<1x104x512xf32>
    %swap3A_204 = arith.constant 20 : index
    %swap3A_205 = arith.constant 0 : index
    %swap3A_206 = arith.constant 0 : index
    %swap3A_207 = vector.load %arg3[%swap3A_204, %swap3A_205, %swap3A_206] : memref<32x104x512xf32, #tpu.memory_space<vmem>>, vector<1x104x512xf32>
    tpu.vector_store %arg3[%swap3A_204, %swap3A_205, %swap3A_206], %broadcast_in_dim3A_203 {strides = array<i32>} : memref<32x104x512xf32, #tpu.memory_space<vmem>>, vector<1x104x512xf32>,
    %slice3A_208 = vector.extract_strided_slice %logistic3A_201 {offsets = [0, 512], sizes = [104, 512], strides = [1, 1]} : vector<104x2048xf32> to vector<104x512xf32>
    %broadcast_in_dim3A_209 = vector.shape_cast %slice3A_208 : vector<104x512xf32> to vector<1x104x512xf32>
    %swap3A_210 = arith.constant 21 : index
    %swap3A_211 = arith.constant 0 : index
    %swap3A_212 = arith.constant 0 : index
    %swap3A_213 = vector.load %arg3[%swap3A_210, %swap3A_211, %swap3A_212] : memref<32x104x512xf32, #tpu.memory_space<vmem>>, vector<1x104x512xf32>
    tpu.vector_store %arg3[%swap3A_210, %swap3A_211, %swap3A_212], %broadcast_in_dim3A_209 {strides = array<i32>} : memref<32x104x512xf32, #tpu.memory_space<vmem>>, vector<1x104x512xf32>,
    %slice3A_214 = vector.extract_strided_slice %logistic3A_201 {offsets = [0, 1024], sizes = [104, 512], strides = [1, 1]} : vector<104x2048xf32> to vector<104x512xf32>
    %broadcast_in_dim3A_215 = vector.shape_cast %slice3A_214 : vector<104x512xf32> to vector<1x104x512xf32>
    %swap3A_216 = arith.constant 22 : index
    %swap3A_217 = arith.constant 0 : index
    %swap3A_218 = arith.constant 0 : index
    %swap3A_219 = vector.load %arg3[%swap3A_216, %swap3A_217, %swap3A_218] : memref<32x104x512xf32, #tpu.memory_space<vmem>>, vector<1x104x512xf32>
    tpu.vector_store %arg3[%swap3A_216, %swap3A_217, %swap3A_218], %broadcast_in_dim3A_215 {strides = array<i32>} : memref<32x104x512xf32, #tpu.memory_space<vmem>>, vector<1x104x512xf32>,
    %slice3A_220 = vector.extract_strided_slice %logistic3A_201 {offsets = [0, 1536], sizes = [104, 512], strides = [1, 1]} : vector<104x2048xf32> to vector<104x512xf32>
    %broadcast_in_dim3A_221 = vector.shape_cast %slice3A_220 : vector<104x512xf32> to vector<1x104x512xf32>
    %swap3A_222 = arith.constant 23 : index
    %swap3A_223 = arith.constant 0 : index
    %swap3A_224 = arith.constant 0 : index
    %swap3A_225 = vector.load %arg3[%swap3A_222, %swap3A_223, %swap3A_224] : memref<32x104x512xf32, #tpu.memory_space<vmem>>, vector<1x104x512xf32>
    tpu.vector_store %arg3[%swap3A_222, %swap3A_223, %swap3A_224], %broadcast_in_dim3A_221 {strides = array<i32>} : memref<32x104x512xf32, #tpu.memory_space<vmem>>, vector<1x104x512xf32>,
    %get3A_226 = arith.constant 0 : index
    %get3A_227 = arith.constant 12288 : index
    %get3A_228 = vector.load %arg0[%get3A_226, %get3A_227] : memref<211x16384xf32, #tpu.memory_space<vmem>>, vector<211x2048xf32>
    %dot_general3A_229 = arith.constant dense<0.000000e+00> : vector<104x2048xf32>
    %dot_general3A_230 = tpu.matmul %concatenate3A, %get3A_228, %dot_general3A_229 {dimension_numbers = #tpu.dot_dimension_numbers<[1], [0], [0], [1], [0, 0, 1, 1], [], []>, transpose_lhs_hint = false} : vector<104x211xf32>, vector<211x2048xf32>, vector<104x2048xf32> -> vector<104x2048xf32>
    %add3A_231 = vector.broadcast %transpose3A : vector<104x1xf32> to vector<104x2048xf32>
    %add3A_232 = arith.addf %dot_general3A_230, %add3A_231 : vector<104x2048xf32>
    %logistic3A_233 = arith.negf %add3A_232 : vector<104x2048xf32>
    %logistic3A_234 = math.exp %logistic3A_233 : vector<104x2048xf32>
    %logistic3A_235 = arith.constant 1.000000e+00 : f32
    %logistic3A_236 = vector.broadcast %logistic3A_235 : f32 to vector<104x2048xf32>
    %logistic3A_237 = arith.addf %logistic3A_236, %logistic3A_234 : vector<104x2048xf32>
    %logistic3A_238 = arith.divf %logistic3A_236, %logistic3A_237 : vector<104x2048xf32>
    %slice3A_239 = vector.extract_strided_slice %logistic3A_238 {offsets = [0, 0], sizes = [104, 512], strides = [1, 1]} : vector<104x2048xf32> to vector<104x512xf32>
    %broadcast_in_dim3A_240 = vector.shape_cast %slice3A_239 : vector<104x512xf32> to vector<1x104x512xf32>
    %swap3A_241 = arith.constant 24 : index
    %swap3A_242 = arith.constant 0 : index
    %swap3A_243 = arith.constant 0 : index
    %swap3A_244 = vector.load %arg3[%swap3A_241, %swap3A_242, %swap3A_243] : memref<32x104x512xf32, #tpu.memory_space<vmem>>, vector<1x104x512xf32>
    tpu.vector_store %arg3[%swap3A_241, %swap3A_242, %swap3A_243], %broadcast_in_dim3A_240 {strides = array<i32>} : memref<32x104x512xf32, #tpu.memory_space<vmem>>, vector<1x104x512xf32>,
    %slice3A_245 = vector.extract_strided_slice %logistic3A_238 {offsets = [0, 512], sizes = [104, 512], strides = [1, 1]} : vector<104x2048xf32> to vector<104x512xf32>
    %broadcast_in_dim3A_246 = vector.shape_cast %slice3A_245 : vector<104x512xf32> to vector<1x104x512xf32>
    %swap3A_247 = arith.constant 25 : index
    %swap3A_248 = arith.constant 0 : index
    %swap3A_249 = arith.constant 0 : index
    %swap3A_250 = vector.load %arg3[%swap3A_247, %swap3A_248, %swap3A_249] : memref<32x104x512xf32, #tpu.memory_space<vmem>>, vector<1x104x512xf32>
    tpu.vector_store %arg3[%swap3A_247, %swap3A_248, %swap3A_249], %broadcast_in_dim3A_246 {strides = array<i32>} : memref<32x104x512xf32, #tpu.memory_space<vmem>>, vector<1x104x512xf32>,
    %slice3A_251 = vector.extract_strided_slice %logistic3A_238 {offsets = [0, 1024], sizes = [104, 512], strides = [1, 1]} : vector<104x2048xf32> to vector<104x512xf32>
    %broadcast_in_dim3A_252 = vector.shape_cast %slice3A_251 : vector<104x512xf32> to vector<1x104x512xf32>
    %swap3A_253 = arith.constant 26 : index
    %swap3A_254 = arith.constant 0 : index
    %swap3A_255 = arith.constant 0 : index
    %swap3A_256 = vector.load %arg3[%swap3A_253, %swap3A_254, %swap3A_255] : memref<32x104x512xf32, #tpu.memory_space<vmem>>, vector<1x104x512xf32>
    tpu.vector_store %arg3[%swap3A_253, %swap3A_254, %swap3A_255], %broadcast_in_dim3A_252 {strides = array<i32>} : memref<32x104x512xf32, #tpu.memory_space<vmem>>, vector<1x104x512xf32>,
    %slice3A_257 = vector.extract_strided_slice %logistic3A_238 {offsets = [0, 1536], sizes = [104, 512], strides = [1, 1]} : vector<104x2048xf32> to vector<104x512xf32>
    %broadcast_in_dim3A_258 = vector.shape_cast %slice3A_257 : vector<104x512xf32> to vector<1x104x512xf32>
    %swap3A_259 = arith.constant 27 : index
    %swap3A_260 = arith.constant 0 : index
    %swap3A_261 = arith.constant 0 : index
    %swap3A_262 = vector.load %arg3[%swap3A_259, %swap3A_260, %swap3A_261] : memref<32x104x512xf32, #tpu.memory_space<vmem>>, vector<1x104x512xf32>
    tpu.vector_store %arg3[%swap3A_259, %swap3A_260, %swap3A_261], %broadcast_in_dim3A_258 {strides = array<i32>} : memref<32x104x512xf32, #tpu.memory_space<vmem>>, vector<1x104x512xf32>,
    %get3A_263 = arith.constant 0 : index
    %get3A_264 = arith.constant 14336 : index
    %get3A_265 = vector.load %arg0[%get3A_263, %get3A_264] : memref<211x16384xf32, #tpu.memory_space<vmem>>, vector<211x2048xf32>
    %dot_general3A_266 = arith.constant dense<0.000000e+00> : vector<104x2048xf32>
    %dot_general3A_267 = tpu.matmul %concatenate3A, %get3A_265, %dot_general3A_266 {dimension_numbers = #tpu.dot_dimension_numbers<[1], [0], [0], [1], [0, 0, 1, 1], [], []>, transpose_lhs_hint = false} : vector<104x211xf32>, vector<211x2048xf32>, vector<104x2048xf32> -> vector<104x2048xf32>
    %add3A_268 = vector.broadcast %transpose3A : vector<104x1xf32> to vector<104x2048xf32>
    %add3A_269 = arith.addf %dot_general3A_267, %add3A_268 : vector<104x2048xf32>
    %logistic3A_270 = arith.negf %add3A_269 : vector<104x2048xf32>
    %logistic3A_271 = math.exp %logistic3A_270 : vector<104x2048xf32>
    %logistic3A_272 = arith.constant 1.000000e+00 : f32
    %logistic3A_273 = vector.broadcast %logistic3A_272 : f32 to vector<104x2048xf32>
    %logistic3A_274 = arith.addf %logistic3A_273, %logistic3A_271 : vector<104x2048xf32>
    %logistic3A_275 = arith.divf %logistic3A_273, %logistic3A_274 : vector<104x2048xf32>
    %slice3A_276 = vector.extract_strided_slice %logistic3A_275 {offsets = [0, 0], sizes = [104, 512], strides = [1, 1]} : vector<104x2048xf32> to vector<104x512xf32>
    %broadcast_in_dim3A_277 = vector.shape_cast %slice3A_276 : vector<104x512xf32> to vector<1x104x512xf32>
    %swap3A_278 = arith.constant 28 : index
    %swap3A_279 = arith.constant 0 : index
    %swap3A_280 = arith.constant 0 : index
    %swap3A_281 = vector.load %arg3[%swap3A_278, %swap3A_279, %swap3A_280] : memref<32x104x512xf32, #tpu.memory_space<vmem>>, vector<1x104x512xf32>
    tpu.vector_store %arg3[%swap3A_278, %swap3A_279, %swap3A_280], %broadcast_in_dim3A_277 {strides = array<i32>} : memref<32x104x512xf32, #tpu.memory_space<vmem>>, vector<1x104x512xf32>,
    %slice3A_282 = vector.extract_strided_slice %logistic3A_275 {offsets = [0, 512], sizes = [104, 512], strides = [1, 1]} : vector<104x2048xf32> to vector<104x512xf32>
    %broadcast_in_dim3A_283 = vector.shape_cast %slice3A_282 : vector<104x512xf32> to vector<1x104x512xf32>
    %swap3A_284 = arith.constant 29 : index
    %swap3A_285 = arith.constant 0 : index
    %swap3A_286 = arith.constant 0 : index
    %swap3A_287 = vector.load %arg3[%swap3A_284, %swap3A_285, %swap3A_286] : memref<32x104x512xf32, #tpu.memory_space<vmem>>, vector<1x104x512xf32>
    tpu.vector_store %arg3[%swap3A_284, %swap3A_285, %swap3A_286], %broadcast_in_dim3A_283 {strides = array<i32>} : memref<32x104x512xf32, #tpu.memory_space<vmem>>, vector<1x104x512xf32>,
    %slice3A_288 = vector.extract_strided_slice %logistic3A_275 {offsets = [0, 1024], sizes = [104, 512], strides = [1, 1]} : vector<104x2048xf32> to vector<104x512xf32>
    %broadcast_in_dim3A_289 = vector.shape_cast %slice3A_288 : vector<104x512xf32> to vector<1x104x512xf32>
    %swap3A_290 = arith.constant 30 : index
    %swap3A_291 = arith.constant 0 : index
    %swap3A_292 = arith.constant 0 : index
    %swap3A_293 = vector.load %arg3[%swap3A_290, %swap3A_291, %swap3A_292] : memref<32x104x512xf32, #tpu.memory_space<vmem>>, vector<1x104x512xf32>
    tpu.vector_store %arg3[%swap3A_290, %swap3A_291, %swap3A_292], %broadcast_in_dim3A_289 {strides = array<i32>} : memref<32x104x512xf32, #tpu.memory_space<vmem>>, vector<1x104x512xf32>,
    %slice3A_294 = vector.extract_strided_slice %logistic3A_275 {offsets = [0, 1536], sizes = [104, 512], strides = [1, 1]} : vector<104x2048xf32> to vector<104x512xf32>
    %broadcast_in_dim3A_295 = vector.shape_cast %slice3A_294 : vector<104x512xf32> to vector<1x104x512xf32>
    %swap3A_296 = arith.constant 31 : index
    %swap3A_297 = arith.constant 0 : index
    %swap3A_298 = arith.constant 0 : index
    %swap3A_299 = vector.load %arg3[%swap3A_296, %swap3A_297, %swap3A_298] : memref<32x104x512xf32, #tpu.memory_space<vmem>>, vector<1x104x512xf32>
    tpu.vector_store %arg3[%swap3A_296, %swap3A_297, %swap3A_298], %broadcast_in_dim3A_295 {strides = array<i32>} : memref<32x104x512xf32, #tpu.memory_space<vmem>>, vector<1x104x512xf32>,
    return
  }
}

</mosaic_0001>

<sc_bundles>
// kernel: kernel.4.cloned.1.call-start
scs
__scs_entry_jumppad:
0x0: {  	(pc) =	sbr.rel $0x88, $3  }
0x1: {  	(tag) =	ssettag $0x0;
	lr =	simm.s32 $0x1  }
0x2: {  	[smem:$0x3F9E] =	sst lr;
	_ =	strace $0xD0000000  }
0x3: {  	_ = 	snop  }
0x4: {  	_ = 	snop  }
0x5: {  	_ = 	snop  }
0x6: {  	_ = 	snop  }
0x7: {  	_ = 	snop  }
__scs_overlays_trampoline_lowered:
0x8: {  	[smem:$0x3FAD] =	sst s0  }
0x9: {  	[smem:$0x3FAE] =	sst s1  }
0xa: {  	[smem:$0x3FAF] =	sst s2  }
0xb: {  	[smem:$0x3FB0] =	sst s3  }
0xc: {  	[smem:$0x3FB1] =	sst s4  }
0xd: {  	[smem:$0x3FB2] =	sst s5  }
0xe: {  	[smem:$0x3FB3] =	sst s6  }
0xf: {  	[smem:$0x3FB4] =	sst s7  }
0x10: {  	[smem:$0x3FB5] =	sst s8  }
0x11: {  	[smem:$0x3FB6] =	sst s9;
	s0 =	simm.s32 @!p0 $0x0  }
0x12: {  	s1 =	sld [smem:$0x3F9C];
	s0 =	simm.s32 @p0 $0x1  }
0x13: {  	[smem:$0x3FB7] =	sst s0;
	s0 =	simm.s32 @!p1 $0x0  }
0x14: {  	s2 =	sld [smem:$0x3F9B];
	s0 =	simm.s32 @p1 $0x1  }
0x15: {  	[smem:$0x3FB8] =	sst s0;
	s0 =	simm.s32 @!p2 $0x0  }
0x16: {  	s3 =	sld [smem:$0x3FDB];
	s0 =	simm.s32 @p2 $0x1  }
0x17: {  	s4 =	simm.s32 $0x1BF5;
	[smem:$0x3FBA] =	sst s0  }
0x18: {  	s0 =	sld [smem:$0x3F9D];
	_ =	swait.ge [sflag:s4], $0x0  }
0x19: {  	s7 =	sld [smem:$0x3F9E]  }
0x1a: {  	s8 =	sadd.s32 $0xFFFFE003, lr  }
0x1b: {  	s9 =	sadd.s32 $0xFFFFFEF7, lr;
	s5 =	simm.s32 $0xFFFFFFFF;
	p2 =	slt.u32 s8, $0xFFFFF086  }
0x1c: {  	p1 =	slt.u32 s9, $0xF7A;
	s5 =	simm.s32 @!p2 $0x0  }
0x1d: {  	s5 =	simm.s32 @p1 $0x1;
	p0 =	seq.s32 s7, s2  }
0x1e: {  	s7 =	smul.u32 @!p0 $0xF7A, s2;
	p2 =	seq.s32 @!p0 s5, $0x0  }
0x1f: {  	s9 =	smul.u32 $0xF7A, s1;
	s8 =	simm.s32 @!p0 $0x1BF5;
	p2 =	por !p2, p0  }
0x20: {  	[sflag:s8] =	ssyncset.s32 @!p0 $0xFFFFF086;
	s6 =	sadd.s32 @!p0 s3, s7;
	s7 =	simm.s32 @!p0 $0x108  }
0x21: {  	s3 =	sadd.s32 s3, s9;
	s6 =	sadd.s32 @!p0 $0x88, s6;
	s7 =	simm.s32 @p2 $0x1082  }
0x22: {  	[simem:s7], [sflag:s8] =	dma.local @!p0 [hbm:s6], $0xF7A  }
0x23: {  	s9 =	sor.u32 $0xD0000000, s2;
	s6 =	simm.s32 $0x108;
	_ =	swait.ge @!p0 [sflag:s8], $0x0  }
0x24: {  	s3 =	sadd.s32 $0x88, s3;
	s6 =	simm.s32 @!p1 $0x1082;
	[sflag:s4] =	ssyncset.s32 $0xFFFFF086  }
0x25: {  	[simem:s6], [sflag:s4] =	dma.local [hbm:s3], $0xF7A  }
0x26: {  	[smem:$0x3F9E] =	sst s1;
	(tag) =	ssettag s2;
	_ =	strace s9  }
0x27: {  	s1 =	sld [smem:$0x3FAE]  }
0x28: {  	s2 =	sld [smem:$0x3FAF]  }
0x29: {  	s4 =	sld [smem:$0x3FB1]  }
0x2a: {  	p0 =	seq.s32 s5, $0x0;
	s5 =	sld [smem:$0x3FB2]  }
0x2b: {  	s6 =	sld [smem:$0x3FB3]  }
0x2c: {  	s7 =	sld [smem:$0x3FB4]  }
0x2d: {  	s3 =	simm.s32 $0x108;
	s8 =	sld [smem:$0x3FB5]  }
0x2e: {  	s3 =	simm.s32 @!p0 $0x1082;
	s9 =	sld [smem:$0x3FB6]  }
0x2f: {  	lr =	sadd.s32 s0, s3;
	s0 =	sld [smem:$0x3FAD]  }
0x30: {  	s3 =	sld [smem:$0x3FB0]  }
0x31: {  	[smem:$0x3FB9] =	sst s10  }
0x32: {  	s10 =	sld [smem:$0x3FB7];
	_ =	sdelay $0x3  }
0x33: {  	p0 =	seq.s32 s10, $0x1;
	s10 =	sld [smem:$0x3FB9];
	_ =	sdelay $0x3  }
0x34: {  	[smem:$0x3FB9] =	sst s10  }
0x35: {  	s10 =	sld [smem:$0x3FB8];
	_ =	sdelay $0x3  }
0x36: {  	p1 =	seq.s32 s10, $0x1;
	s10 =	sld [smem:$0x3FB9];
	_ =	sdelay $0x3  }
0x37: {  	[smem:$0x3FB9] =	sst s10  }
0x38: {  	s10 =	sld [smem:$0x3FBA]  }
0x39: {  	_ = 	snop;
	(pc) =	sbr.ind lr, $3  }
0x3a: {  	_ = 	snop  }
0x3b: {  	_ = 	snop  }
0x3c: {  	p2 =	seq.s32 s10, $0x1;
	s10 =	sld [smem:$0x3FB9]  }
0x3d: {  	_ =	shalt  }
0x3e: {  	_ =	shalt  }
0x3f: {  	_ =	shalt  }
0x40: {  	_ =	shalt  }
0x41: {  	_ =	shalt  }
0x42: {  	_ =	shalt  }
0x43: {  	_ =	shalt  }
0x44: {  	_ =	shalt  }
0x45: {  	_ =	shalt  }
0x46: {  	_ =	shalt  }
0x47: {  	_ =	shalt  }
0x48: {  	_ =	shalt  }
0x49: {  	_ =	shalt  }
0x4a: {  	_ =	shalt  }
0x4b: {  	_ =	shalt  }
0x4c: {  	_ =	shalt  }
0x4d: {  	_ =	shalt  }
0x4e: {  	_ =	shalt  }
0x4f: {  	_ =	shalt  }
0x50: {  	_ =	shalt  }
0x51: {  	_ =	shalt  }
0x52: {  	_ =	shalt  }
0x53: {  	_ =	shalt  }
0x54: {  	_ =	shalt  }
0x55: {  	_ =	shalt  }
0x56: {  	_ =	shalt  }
0x57: {  	_ =	shalt  }
0x58: {  	_ =	shalt  }
0x59: {  	_ =	shalt  }
0x5a: {  	_ =	shalt  }
0x5b: {  	_ =	shalt  }
0x5c: {  	_ =	shalt  }
0x5d: {  	_ =	shalt  }
0x5e: {  	_ =	shalt  }
0x5f: {  	_ =	shalt  }
0x60: {  	_ =	shalt  }
0x61: {  	_ =	shalt  }
0x62: {  	_ =	shalt  }
0x63: {  	_ =	shalt  }
0x64: {  	_ =	shalt  }
0x65: {  	_ =	shalt  }
0x66: {  	_ =	shalt  }
0x67: {  	_ =	shalt  }
0x68: {  	_ =	shalt  }
0x69: {  	_ =	shalt  }
0x6a: {  	_ =	shalt  }
0x6b: {  	_ =	shalt  }
0x6c: {  	_ =	shalt  }
0x6d: {  	_ =	shalt  }
0x6e: {  	_ =	shalt  }
0x6f: {  	_ =	shalt  }
0x70: {  	_ =	shalt  }
0x71: {  	_ =	shalt  }
0x72: {  	_ =	shalt  }
0x73: {  	_ =	shalt  }
0x74: {  	_ =	shalt  }
0x75: {  	_ =	shalt  }
0x76: {  	_ =	shalt  }
0x77: {  	_ =	shalt  }
0x78: {  	_ =	shalt  }
0x79: {  	_ =	shalt  }
0x7a: {  	_ =	shalt  }
0x7b: {  	_ =	shalt  }
0x7c: {  	_ =	shalt  }
0x7d: {  	_ =	shalt  }
0x7e: {  	_ =	shalt  }
0x7f: {  	_ =	shalt  }
0x80: {  	_ =	shalt  }
0x81: {  	_ =	shalt  }
0x82: {  	_ =	shalt  }
0x83: {  	_ =	shalt  }
0x84: {  	_ =	shalt  }
0x85: {  	_ =	shalt  }
0x86: {  	_ =	shalt  }
0x87: {  	_ =	shalt  }
.Lfunc_end0:
.L_simem_size_0:
called_computation_lowered:
.L_overlay_start_0:
0x88: {  	s2 =	sld [smem:$0x3FD9]  }
0x89: {  	s3 =	sld [smem:$0x3FFE];
	_ =	sdelay $0x1  }
0x8a: {  	s1 =	srdreg.scid  }
0x8b: {  	s0 =	sand.u32 $0x1, s1  }
0x8c: {  	s14 =	sshll.u32 s0, $0xA;
	s2 =	sadd.s32 s3, s2  }
0x8d: {  	s2 =	sadd.s32 s2, s14  }
0x8e: {  	[smem:$0x3FC5] =	sst s2  }
0x8f: {  	_ = 	snop  }
0x90: {  	s2 =	sld [smem:$0x3FD0];
	_ =	sdelay $0x2  }
0x91: {  	s15 =	simm.s32 $0xA;
	s4 =	simm.s32 $0x10  }
0x92: {  	[smem:s4], [sflag:s15] =	dma.local [hbm:s2], $0x1  }
0x93: {  	_ =	swait.eq [sflag:s15], $0x1  }
0x94: {  	[sflag:s15] =	ssyncset.done $0x0  }
0x95: {  	s16 =	sld [smem:$0x10];
	[sflag:s15] =	ssyncadd.s32 $0xFFFFFFFF  }
0x96: {  	s17 =	sld [smem:$0x11];
	(tm) =	ssettm $0x1  }
0x97: {  	s18 =	sld [smem:$0x3FFB];
	_ =	sdelay $0x3  }
0x98: {  	_ =	strace s18  }
0x99: {  	s4 =	sld [smem:$0x3FFC];
	_ =	sdelay $0x3  }
0x9a: {  	_ =	strace s4  }
0x9b: {  	s4 =	sld [smem:$0x3FFD];
	_ =	sdelay $0x3  }
0x9c: {  	_ =	strace s4  }
0x9d: {  	_ =	strace $0x8FFFFFFF  }
0x9e: {  	s19 =	sld [smem:$0x3FDB];
	_ =	sdelay $0x1  }
0x9f: {  	s5 =	simm.s32 $_scs_section_size  }
0xa0: {  	s6 =	simm.s32 $_size__tile_overlayer_lowered;
	s7 =	simm.s32 $_tile_overlayer_lowered  }
0xa1: {  	s22 =	simm.s32 $0x1BFF;
	s21 =	sshll.u32 s7, $0x1;
	s4 =	sadd.s32 s5, s19  }
0xa2: {  	s8 =	simm.s32 $0x0;
	s20 =	sshll.u32 s6, $0x1;
	s6 =	sadd.s32 s21, s4  }
0xa3: {  	[timem:s8], [sflag:s22] =	dma.local [hbm:s6], s20  }
0xa4: {  	_ =	swait.ge [sflag:s22], s20  }
0xa5: {  	s5 =	ssub.s32 $0x0, s20;
	[sflag:s22] =	ssyncset.done $0x0  }
0xa6: {  	[sflag:s22] =	ssyncadd.s32 s5;
	_ =	sdelay $0x1  }
0xa7: {  	s23 =	simm.s32 $0x1B8B  }
0xa8: {  	_ =	swait.ge [sflag:s23], $0x1  }
0xa9: {  	[sflag:s23] =	ssyncset.done $0x0  }
0xaa: {  	s25 =	simm.s32 $0x1B8E;
	s24 =	sld [smem:$0x3FFE];
	[sflag:s23] =	ssyncadd.s32 $0xFFFFFFFF  }
0xab: {  	s26 =	simm.s32 $execute0_lowered;
	[smem:$0x3FD2] =	sst s25  }
0xac: {  	s6 =	sshll.u32 s26, $0x1;
	_ =	strace $0x80000046;
	[dreg:$0x1] =	wrdreg $0xFFFFFFFF  }
0xad: {  	s28 =	simm.s32 $_size_execute0_lowered;
	s4 =	sadd.s32 s4, s6;
	[dreg:$0x0] =	wrdreg $0x0  }
0xae: {  	s6 =	sshll.u32 s28, $0x1;
	[dreg:$0x2] =	wrdreg s4  }
0xaf: {  	[dreg:$0x3] =	wrdreg s6  }
0xb0: {  	[dreg:$0x4] =	wrdreg $0xC0  }
0xb1: {  	_ =	task [dreg:s8], $0x5FFFF  }
0xb2: {  	[dreg:$0x1] =	wrdreg $0xFFFFFFFF  }
0xb3: {  	[dreg:$0x0] =	wrdreg $0x60  }
0xb4: {  	[dreg:$0x2] =	wrdreg s24  }
0xb5: {  	[dreg:$0x3] =	wrdreg s16  }
0xb6: {  	[dreg:$0x4] =	wrdreg s17  }
0xb7: {  	[dreg:$0x5] =	wrdreg $0x9  }
0xb8: {  	_ =	task.clear_ibuf [dreg:s8], $0x6FFFF;
	_ =	strace $0x90000046  }
0xb9: {  	s29 =	simm.s32 $0x9;
	_ =	strace $0x80000048  }
0xba: {  	_ =	swait.ge [sflag:s29], $0x1  }
0xbb: {  	[sflag:s29] =	ssyncadd.s32 $0xFFFFFFFF  }
0xbc: {  	_ =	strace $0x90000048  }
0xbd: {  	_ =	sfence  }
0xbe: {  	s30 =	sld [smem:$0x0];
	_ =	sdelay $0x2  }
0xbf: {  	s31 =	sshll.u32 s1, $0xD;
	s1 =	sshrl.u32 s1, $0x2  }
0xc0: {  	s3 =	sand.u32 $0x4000, s31;
	s1 =	sadd.s32 s1, s30  }
0xc1: {  	s0 =	sor.u32 s3, s0;
	s1 =	sshll.u32 s1, $0x11  }
0xc2: {  	s0 =	sor.u32 s1, s0  }
0xc3: {  	s0 =	sadd.s32 $0x8F2B, s0  }
0xc4: {  	[sflag:s0] =	ssyncadd.remote.s32 $0x1  }
0xc5: {  	_ =	sfence.sel $0xFFFF  }
0xc6: {  	[dreg:$0x0] =	wrdreg $0xFFFFFFFF;
	(pc) =	sbr.abs _section_cstart, $3  }
0xc7: {  	[dreg:$0x1] =	wrdreg $0xFFFFFFFF  }
0xc8: {  	_ =	task.clear_ibuf [dreg:s8], $0x2FFFF;
	_ =	strace $0x9FFFFFFF  }
0xc9: {  	(tm) =	ssettm $0x7FFFFFFF  }
tec
execute0_lowered:
.L_overlay_start_1:
0x0: {  	(tag) =	ssettag $0x1  }
0x1: {  	s1 =	rddreg [dreg:$0x0]  }
0x2: {  	s0 =	srdreg.scid;
	s6 =	rddreg [dreg:$0x1]  }
0x3: {  	s3 =	stileid.u32;
	s8 =	rddreg [dreg:$0x2]  }
0x4: {  	s29 =	simm.s32 $0x0;
	s11 =	simm.s32 $0x1;
	s12 =	simm.s32 $0x2  }
0x5: {  	s13 =	simm.s32 $0x80;
	s14 =	simm.s32 $0x100;
	s0 =	sand.u32 $0x1, s0  }
0x6: {  	s16 =	simm.s32 $0x3;
	s20 =	simm.s32 $0x0;
	s2 =	sshll.u32 s0, $0x4  }
0x7: {  	[smem:$0x7FF] =	sst s29;
	s0 =	ssub.s32 $0x2, s0;
	s4 =	sor.u32 s3, s2  }
0x8: {  	s30 =	sshrl.u32 s0, $0x1;
	s3 =	smul.u32 $0xD000, s4;
	s7 =	sshll.u32 s4, $0x7  }
0x9: {  	_ =	strace $0x80000047;
	s0 =	ssub.s32 s0, s30;
	s5 =	sadd.s32 s6, s7  }
0xa: {  	s31 =	sor.u32 $0x10, s7;
	s7 =	sadd.s32 s8, s7;
	s3 =	sshrl.u32 s3, $0x3  }
0xb: {  	s9 =	smax.u32 s0, $0x1;
	s6 =	sadd.s32 s6, s31;
	s1 =	sadd.s32 s3, s1  }
0xc: {  	s8 =	sadd.s32 s8, s31;
	s3 =	sadd.s32 $0x1000, s1;
	s4 =	sadd.s32 $0x1E00, s1  }
.LBB2_1:
0xd: {  	s0 =	simm.s32 $0x0  }
0xe: {  	[tilespmem:s0], [sflag:$0x1] =	stream.linear.gather [hbm4b:s3+s0], $0x7000, $0x38;
	[tilespmem:$0xD800] =	vst v63  }
0xf: {  	s1 =	simm.s32 $0x7000  }
0x10: {  	[tilespmem:s1], [sflag:$0x2] =	stream.linear.gather [hbm4b:s4+s0], $0x6000, $0x38;
	[tilespmem:$0xD800] =	vst v63  }
0x11: {  	_ =	swait.ge [sflag:s11], $0x7000  }
0x12: {  	[sflag:s11] =	ssyncset.done $0x0  }
0x13: {  	s21 =	simm.s32 $0x0;
	[sflag:s11] =	ssyncadd.s32 $0xFFFF9000  }
.LBB2_2:
0x14: {  	s25 =	sshll.u32 s21, $0x6  }
0x15: {  	s22 =	sor.u32 $0x30, s25  }
0x16: {  	s0 =	sshll.u32 s21, $0x9;
	s23 =	sor.u32 $0x20, s25;
	s17 =	sand.u32 $0x70, s22  }
0x17: {  	s0 =	sand.u32 $0xC00, s0;
	s24 =	sor.u32 $0x10, s25;
	s1 =	sand.u32 $0x60, s23;
	v0 =	vmov s17  }
0x18: {  	s26 =	simm.s32 $0x0;
	[dreg:$0x4] =	wrdreg s0;
	s19 =	sand.u32 $0x50, s24;
	v1 =	vmov s1  }
0x19: {  	s10 =	sand.u32 $0x7000, s26;
	s18 =	rddreg [dreg:$0x4];
	v2 =	vmov s19  }
0x1a: {  	s31 =	sand.u32 $0x200, s26;
	s15 =	sor.u32 s10, s18  }
0x1b: {  	s17 =	sadd.s32 s31, s15  }
0x1c: {  	v4 =	vld.idx.msk [tilespmem:v0+s17+$0x0 ss:$0x1], $0xffff  }
0x1d: {  	v5 =	vld.idx.msk [tilespmem:v1+s17+$0x0 ss:$0x1], $0xffff  }
0x1e: {  	s2 =	simm.s32 $0x80;
	v6 =	vld.idx.msk [tilespmem:v2+s17+$0x0 ss:$0x1], $0xffff  }
0x1f: {  	s0 =	sand.u32 $0x280, s2  }
0x20: {  	s18 =	sadd.s32 s0, s15  }
0x21: {  	v8 =	vimm.f32 $-Inf;
	s10 =	sand.u32 $0x40, s25;
	v7 =	vld.idx.msk [tilespmem:v0+s18+$0x0 ss:$0x1], $0xffff  }
0x22: {  	v13 =	vimm.s32 $0x0;
	v3 =	vmov s10;
	v9 =	vld.idx.msk [tilespmem:v1+s18+$0x0 ss:$0x1], $0xffff;
	vm2 =	vgt.f32 v4, v8  }
0x23: {  	s31 =	simm.s32 $0x0;
	v21 =	vld.idx.msk [tilespmem:v2+s18+$0x0 ss:$0x1], $0xffff;
	vm0 =	vgt.f32 v5, v8;
	vm3 =	vgt.f32 v6, v8;
	v4 =	vsel vm2, v4, v8  }
0x24: {  	s19 =	simm.s32 $0x100;
	v5 =	vsel vm0, v5, v8;
	v11 =	vsel vm2, s31, v13;
	v14 =	vsel vm0, s31, v13  }
0x25: {  	s0 =	sand.u32 $0x300, s19;
	v6 =	vsel vm3, v6, v8;
	v18 =	vsel vm3, s31, v13;
	v10 =	vsel vm2, v8, v4  }
0x26: {  	s10 =	sadd.s32 s0, s15;
	v12 =	vsel vm0, v8, v5;
	vm5 =	vgt.f32 v7, v4;
	v17 =	vsel vm3, v8, v6  }
0x27: {  	v15 =	vld.idx.msk [tilespmem:v0+s10+$0x0 ss:$0x1], $0xffff;
	v19 =	vsel vm3, v13, v18;
	v20 =	vsel vm2, v13, v11;
	vm2 =	vgt.f32 v9, v5  }
0x28: {  	s0 =	simm.s32 $0x1;
	vm7 =	vgt.f32 v21, v6;
	vm4 =	vgt.f32 v7, v10;
	vm1 =	vgt.f32 v9, v12  }
0x29: {  	v16 =	vld.idx.msk [tilespmem:v1+s10+$0x0 ss:$0x1], $0xffff;
	v22 =	vsel vm5, s0, v11;
	v25 =	vsel vm2, s0, v14;
	vm6 =	vgt.f32 v21, v17  }
0x2a: {  	s28 =	simm.s32 $0x180;
	v10 =	vsel vm4, v7, v10;
	v20 =	vsel vm4, s0, v20;
	v12 =	vsel vm1, v9, v12  }
0x2b: {  	s28 =	sand.u32 $0x380, s28;
	v7 =	vsel vm5, v7, v4;
	v12 =	vsel vm2, v5, v12;
	v11 =	vsel vm5, v11, v20  }
0x2c: {  	s15 =	sadd.s32 s28, s15;
	v4 =	vsel vm5, v4, v10;
	vm5 =	vgt.f32 v15, v7;
	v5 =	vsel vm2, v9, v5  }
0x2d: {  	s30 =	simm.s32 $0x2;
	v26 =	vld.idx.msk [tilespmem:v0+s15+$0x0 ss:$0x1], $0xffff;
	v9 =	vsel vm6, s0, v19;
	v19 =	vsel vm6, v21, v17;
	v17 =	vsel vm7, v21, v6  }
0x2e: {  	v10 =	vld.idx.msk [tilespmem:v3+s17+$0x0 ss:$0x1], $0xffff;
	vm3 =	vgt.f32 v16, v12;
	vm4 =	vgt.f32 v15, v4;
	v24 =	vsel vm5, s30, v22  }
0x2f: {  	v27 =	vsel vm5, v15, v7;
	v28 =	vsel vm7, v18, v9;
	v4 =	vsel vm4, v15, v4  }
0x30: {  	v21 =	vld.idx.msk [tilespmem:v2+s10+$0x0 ss:$0x1], $0xffff;
	v18 =	vsel vm7, s0, v18;
	v12 =	vsel vm3, v16, v12;
	v4 =	vsel vm5, v7, v4  }
0x31: {  	v7 =	vsel vm4, s30, v11;
	v11 =	vsel vm0, v13, v14;
	vm0 =	vgt.f32 v16, v5  }
0x32: {  	v11 =	vsel vm1, s0, v11;
	vm1 =	vgt.f32 v26, v4;
	v9 =	vsel vm5, v22, v7  }
0x33: {  	v15 =	vld.idx.msk [tilespmem:v3+s18+$0x0 ss:$0x1], $0xffff;
	v7 =	vsel vm0, v16, v5;
	vm5 =	vgt.f32 v26, v27;
	vm4 =	vgt.f32 v10, v8  }
0x34: {  	s29 =	simm.s32 $0x3;
	v29 =	vsel vm2, v14, v11;
	v4 =	vsel vm1, v26, v4;
	v14 =	vsel vm0, v5, v12  }
0x35: {  	v5 =	vsel vm1, s29, v9;
	v11 =	vsel vm0, s30, v25;
	vm1 =	vgt.f32 v21, v17  }
0x36: {  	v23 =	vsel vm4, v10, v8;
	v20 =	vsel vm4, s31, v13;
	v10 =	vsel vm7, v6, v19  }
0x37: {  	v9 =	vld.idx.msk [tilespmem:v1+s15+$0x0 ss:$0x1], $0xffff;
	v6 =	vsel vm5, v24, v5;
	v5 =	vsel vm5, s29, v24;
	v8 =	vsel vm4, v8, v23  }
0x38: {  	v19 =	vsel vm3, s30, v29;
	vm6 =	vgt.f32 v21, v10;
	vm2 =	vgt.f32 v15, v8  }
0x39: {  	v12 =	vsel vm6, s30, v28;
	v24 =	vsel vm6, v21, v10;
	v10 =	vsel vm5, v26, v27  }
0x3a: {  	v22 =	vld.idx.msk [tilespmem:v3+s10+$0x0 ss:$0x1], $0xffff;
	v26 =	vsel vm4, s31, v13;
	v30 =	vsel vm2, v15, v8;
	v8 =	vsel vm5, v27, v4  }
0x3b: {  	v4 =	vld.idx.msk [tilespmem:v3+s15+$0x0 ss:$0x1], $0xffff;
	v16 =	vsel vm1, v18, v12;
	vm5 =	vgt.f32 v15, v23;
	v12 =	vsel vm0, v25, v19  }
0x3c: {  	s1 =	simm.s32 $0x200;
	s28 =	simm.s32 $0x3;
	v19 =	vld.idx.msk [tilespmem:v2+s15+$0x0 ss:$0x1], $0xffff;
	v25 =	vsel vm4, v13, v26;
	v13 =	vsel vm5, v23, v30;
	vm0 =	vgt.f32 v9, v14  }
.LBB2_3:
0x3d: {  	v25 =	vsel vm2, s0, v25;
	v21 =	vsel vm1, v21, v17  }
0x3e: {  	v18 =	vsel vm1, s30, v18;
	v15 =	vsel vm5, v15, v23;
	v17 =	vsel vm1, v17, v24  }
0x3f: {  	v14 =	vsel vm0, v9, v14;
	v27 =	vsel vm0, s28, v12;
	v25 =	vsel vm5, v20, v25  }
0x40: {  	s26 =	sadd.s32 $0x800, s26;
	v20 =	vsel vm5, s0, v20;
	vm2 =	vgt.f32 v22, v13;
	vm3 =	vgt.f32 v22, v15  }
0x41: {  	s10 =	rddreg [dreg:$0x4];
	s15 =	smov.u32 s1;
	s17 =	sand.u32 $0x7000, s26;
	vm1 =	vgt.f32 v19, v21;
	vm4 =	vgt.f32 v19, v17;
	v13 =	vsel vm2, v22, v13  }
0x42: {  	s31 =	sand.u32 $0x200, s15;
	s17 =	sor.u32 s17, s10;
	v23 =	vsel vm2, s30, v25;
	v17 =	vsel vm4, v19, v17;
	v16 =	vsel vm4, s28, v16  }
0x43: {  	s0 =	sadd.s32 s31, s17;
	v19 =	vsel vm1, v19, v21;
	v13 =	vsel vm3, v15, v13;
	v17 =	vsel vm1, v21, v17  }
0x44: {  	v24 =	vld.idx.msk [tilespmem:v0+s0+$0x0 ss:$0x1], $0xffff;
	v23 =	vsel vm3, v20, v23;
	v26 =	vsel vm1, v18, v16;
	v15 =	vsel vm3, v22, v15  }
0x45: {  	s18 =	sadd.s32 $0x100, s15;
	s19 =	sadd.s32 $0x180, s15;
	s15 =	sadd.s32 $0x80, s15;
	v25 =	vld.idx.msk [tilespmem:v1+s0+$0x0 ss:$0x1], $0xffff;
	v20 =	vsel vm3, s30, v20;
	v18 =	vsel vm1, s28, v18;
	vm1 =	vgt.f32 v9, v7  }
0x46: {  	s2 =	sand.u32 $0x300, s18;
	s18 =	sand.u32 $0x380, s19;
	s15 =	sand.u32 $0x280, s15;
	vm2 =	vgt.f32 v4, v13;
	v14 =	vsel vm1, v7, v14;
	v7 =	vsel vm1, v9, v7  }
0x47: {  	s31 =	sadd.s32 s2, s17;
	s10 =	sadd.s32 s18, s17;
	s17 =	sadd.s32 s15, s17;
	v13 =	vsel vm2, v4, v13;
	v22 =	vsel vm2, s28, v23;
	vm2 =	vgt.f32 v4, v15  }
0x48: {  	v28 =	vld.idx.msk [tilespmem:v1+s17+$0x0 ss:$0x1], $0xffff;
	v9 =	vsel vm1, v11, v27;
	v11 =	vsel vm1, s28, v11;
	v29 =	vsel vm2, v15, v13  }
0x49: {  	s29 =	sadd.s32 $0x4, s29;
	v21 =	vld.idx.msk [tilespmem:v0+s17+$0x0 ss:$0x1], $0xffff;
	v12 =	vsel vm2, v20, v22;
	v13 =	vsel vm2, s28, v20;
	vm0 =	vgt.f32 v24, v10  }
0x4a: {  	s19 =	sadd.s32 $0xFFFFFFFD, s29;
	v23 =	vld.idx.msk [tilespmem:v2+s0+$0x0 ss:$0x1], $0xffff;
	vm4 =	vgt.f32 v24, v8;
	v27 =	vsel vm2, v4, v15;
	vm3 =	vgt.f32 v25, v14  }
0x4b: {  	v8 =	vsel vm4, v24, v8;
	vm1 =	vgt.f32 v25, v7;
	v6 =	vsel vm4, s19, v6  }
0x4c: {  	v4 =	vsel vm3, v25, v14;
	v8 =	vsel vm0, v10, v8;
	v14 =	vsel vm1, v25, v7  }
0x4d: {  	v20 =	vld.idx.msk [tilespmem:v3+s10+$0x0 ss:$0x1], $0xffff;
	v10 =	vsel vm0, v24, v10;
	v24 =	vsel vm1, s19, v11;
	v9 =	vsel vm3, s19, v9  }
0x4e: {  	v7 =	vsel vm1, v7, v4;
	vm7 =	vgt.f32 v21, v8;
	vm8 =	vgt.f32 v21, v10  }
0x4f: {  	v16 =	vld.idx.msk [tilespmem:v3+s0+$0x0 ss:$0x1], $0xffff;
	vm6 =	vgt.f32 v28, v14;
	v9 =	vsel vm1, v11, v9;
	vm5 =	vgt.f32 v23, v17  }
0x50: {  	s0 =	sadd.s32 $0xFFFFFFFE, s29;
	vm2 =	vgt.f32 v23, v19;
	v8 =	vsel vm7, v21, v8;
	vm4 =	vgt.f32 v28, v7  }
0x51: {  	v30 =	vsel vm6, s0, v24;
	v15 =	vsel vm5, v23, v17;
	v17 =	vsel vm0, s19, v5  }
0x52: {  	v22 =	vld.idx.msk [tilespmem:v0+s31+$0x0 ss:$0x1], $0xffff;
	v4 =	vmovc v20;
	v20 =	vsel vm5, s19, v26;
	v26 =	vsel vm2, v23, v19;
	v5 =	vsel vm0, v5, v6  }
0x53: {  	v25 =	vld.idx.msk [tilespmem:v1+s31+$0x0 ss:$0x1], $0xffff;
	v7 =	vsel vm4, v28, v7;
	v8 =	vsel vm8, v10, v8;
	v28 =	vsel vm6, v28, v14  }
0x54: {  	v11 =	vsel vm2, s19, v18;
	v9 =	vsel vm4, s0, v9;
	vm4 =	vgt.f32 v16, v27  }
0x55: {  	v19 =	vsel vm2, v19, v15;
	v15 =	vsel vm2, v18, v20;
	v5 =	vsel vm7, s0, v5  }
0x56: {  	v6 =	vld.idx.msk [tilespmem:v2+s17+$0x0 ss:$0x1], $0xffff;
	v20 =	vsel vm8, v21, v10;
	v23 =	vsel vm8, s0, v17;
	v7 =	vsel vm6, v14, v7  }
0x57: {  	vm3 =	vgt.f32 v22, v8;
	v24 =	vsel vm6, v24, v9;
	v5 =	vsel vm8, v17, v5  }
0x58: {  	s30 =	sadd.s32 $0xFFFFFFFF, s29;
	v10 =	vld.idx.msk [tilespmem:v0+s10+$0x0 ss:$0x1], $0xffff;
	vm0 =	vgt.f32 v25, v7;
	vm7 =	vgt.f32 v22, v20;
	v8 =	vsel vm3, v22, v8  }
0x59: {  	v31 =	vsel vm7, s30, v23;
	v32 =	vsel vm7, v22, v20;
	v8 =	vsel vm7, v20, v8  }
0x5a: {  	v5 =	vsel vm3, s30, v5;
	vm3 =	vgt.f32 v25, v28;
	v7 =	vsel vm0, v25, v7  }
0x5b: {  	v20 =	vsel vm4, s19, v13;
	v5 =	vsel vm7, v23, v5;
	vm5 =	vgt.f32 v6, v19  }
0x5c: {  	v21 =	vld.idx.msk [tilespmem:v2+s31+$0x0 ss:$0x1], $0xffff;
	v23 =	vsel vm4, v16, v27;
	vm1 =	vgt.f32 v6, v26;
	v14 =	vsel vm5, s0, v15  }
0x5d: {  	v19 =	vsel vm5, v6, v19;
	vm15 =	vgt.f32 v10, v8;
	vm5 =	vgt.f32 v16, v29  }
0x5e: {  	v17 =	vsel vm1, v6, v26;
	v18 =	vsel vm1, s0, v11;
	vm6 =	vgt.f32 v10, v32  }
0x5f: {  	v33 =	vsel vm1, v11, v14;
	v8 =	vsel vm15, v10, v8;
	v9 =	vsel vm5, v16, v29  }
0x60: {  	v15 =	vld.idx.msk [tilespmem:v3+s17+$0x0 ss:$0x1], $0xffff;
	v14 =	vsel vm3, v28, v7;
	v7 =	vsel vm3, v25, v28;
	v5 =	vsel vm15, s29, v5  }
0x61: {  	v16 =	vsel vm1, v26, v19;
	v11 =	vsel vm3, s30, v30;
	vm1 =	vgt.f32 v21, v17  }
0x62: {  	p0 =	sne.s32 s1, $0x1A00;
	v25 =	vsel vm0, s30, v24;
	v10 =	vsel vm6, v10, v32;
	v6 =	vsel vm4, v27, v9;
	v9 =	vld.idx.msk [tilespmem:v1+s10+$0x0 ss:$0x1], $0xffff  }
.Ltmp0:
0x63: {  	v26 =	vsel vm5, s19, v12;
	vm7 =	vgt.f32 v21, v16;
	v8 =	vsel vm6, v32, v8;
	(pc) =	sbr.rel @p0 .LBB2_3-.Ltmp0, $4  }
0x64: {  	v12 =	vsel vm3, v30, v25;
	v25 =	vsel vm4, v13, v26;
	v19 =	vsel vm7, s30, v33  }
0x65: {  	v24 =	vsel vm7, v21, v16;
	v16 =	vsel vm1, v18, v19;
	vm2 =	vgt.f32 v15, v6  }
0x66: {  	v22 =	vld.idx.msk [tilespmem:v3+s31+$0x0 ss:$0x1], $0xffff;
	vm5 =	vgt.f32 v15, v23;
	v63 =	vsel vm2, v15, v6;
	v6 =	vsel vm6, v31, v5  }
0x67: {  	s1 =	sadd.s32 $0x200, s1;
	s28 =	smov.u32 s29;
	v19 =	vld.idx.msk [tilespmem:v2+s10+$0x0 ss:$0x1], $0xffff;
	v5 =	vsel vm6, s29, v31;
	v13 =	vsel vm5, v23, v63;
	vm0 =	vgt.f32 v9, v14  }
0x68: {  	_ =	sdelay $0x1  }
0x69: {  	v0 =	vsel vm2, s0, v25  }
0x6a: {  	v1 =	vsel vm5, v15, v23;
	v3 =	vsel vm5, s0, v20;
	vm11 =	vgt.f32 v22, v13  }
0x6b: {  	v0 =	vsel vm5, v20, v0;
	vm3 =	vgt.f32 v22, v1;
	v2 =	vsel vm11, v22, v13  }
0x6c: {  	v0 =	vsel vm11, s30, v0;
	v2 =	vsel vm3, v1, v2;
	v1 =	vsel vm3, v22, v1  }
0x6d: {  	v0 =	vsel vm3, v3, v0;
	vm4 =	vgt.f32 v4, v1  }
0x6e: {  	v3 =	vsel vm3, s30, v3;
	vm12 =	vgt.f32 v4, v2;
	v50 =	vsel vm4, v4, v1  }
0x6f: {  	v49 =	vsel vm1, v21, v17;
	v2 =	vsel vm12, v4, v2;
	v52 =	vsel vm4, s28, v3;
	[tilespmem:s25+$0xD000] =	vst v50  }
0x70: {  	v51 =	vsel vm1, v17, v24;
	v0 =	vsel vm12, s28, v0;
	v1 =	vsel vm4, v1, v2;
	[tilespmem:s25+$0xD400] =	vst v52  }
0x71: {  	vm13 =	vgt.f32 v19, v49;
	vm14 =	vgt.f32 v19, v51;
	v0 =	vsel vm4, v3, v0;
	[tilespmem:s25+$0xD200] =	vst v1  }
0x72: {  	v53 =	vsel vm14, v19, v51;
	v54 =	vsel vm13, v19, v49;
	[tilespmem:s25+$0xD600] =	vst v0  }
0x73: {  	v55 =	vsel vm1, s30, v18;
	v1 =	vsel vm13, v49, v53;
	[tilespmem:s24+$0xD000] =	vst v54  }
0x74: {  	v56 =	vsel vm14, s28, v16;
	v57 =	vsel vm13, s28, v55;
	[tilespmem:s24+$0xD200] =	vst v1  }
0x75: {  	vm15 =	vgt.f32 v9, v7;
	v0 =	vsel vm13, v55, v56;
	[tilespmem:s24+$0xD400] =	vst v57  }
0x76: {  	v58 =	vsel vm0, v9, v14;
	v59 =	vsel vm15, v9, v7;
	[tilespmem:s24+$0xD600] =	vst v0  }
0x77: {  	v60 =	vsel vm15, v7, v58;
	[tilespmem:s23+$0xD000] =	vst v59  }
0x78: {  	v61 =	vsel vm0, s28, v12;
	s21 =	sadd.s32 $0x1, s21;
	v62 =	vsel vm15, s28, v11;
	[tilespmem:s23+$0xD200] =	vst v60  }
0x79: {  	v63 =	vsel vm15, v11, v61;
	p0 =	sne.s32 s21, $0x8;
	[tilespmem:s23+$0xD400] =	vst v62  }
.Ltmp1:
0x7a: {  	[tilespmem:s23+$0xD600] =	vst v63;
	(pc) =	sbr.rel @p0 .LBB2_2-.Ltmp1, $4  }
0x7b: {  	[tilespmem:s22+$0xD000] =	vst v10  }
0x7c: {  	[tilespmem:s22+$0xD200] =	vst v8  }
0x7d: {  	[tilespmem:s22+$0xD400] =	vst v5  }
0x7e: {  	[tilespmem:s22+$0xD600] =	vst v6  }
0x7f: {  	_ =	swait.ge [sflag:s12], $0x6000  }
0x80: {  	[sflag:s12] =	ssyncset.done $0x0  }
0x81: {  	s21 =	simm.s32 $0x0;
	s22 =	simm.s32 $0x0;
	[sflag:s12] =	ssyncadd.s32 $0xFFFFA000  }
.LBB2_6:
0x82: {  	s26 =	sshll.u32 s22, $0x6  }
0x83: {  	s0 =	sand.u32 $0x40, s26  }
0x84: {  	v4 =	vld [tilespmem:s26+$0xD200];
	s10 =	sand.u32 $0x180, s26;
	s1 =	sor.u32 $0x10, s0  }
0x85: {  	v5 =	vld [tilespmem:s26+$0xD600];
	s25 =	sor.u32 s10, s1  }
0x86: {  	s15 =	sor.u32 $0x20, s0;
	v6 =	vld [tilespmem:s25+$0xD000]  }
0x87: {  	s23 =	sor.u32 s10, s15;
	v7 =	vld [tilespmem:s25+$0xD200]  }
0x88: {  	v2 =	vmov s0;
	v9 =	vld [tilespmem:s23+$0xD000]  }
0x89: {  	s2 =	sshll.u32 s22, $0x9;
	s18 =	simm.s32 $0x7000;
	s17 =	sor.u32 $0x30, s0;
	v0 =	vmov s15;
	v10 =	vld [tilespmem:s23+$0xD200]  }
0x8a: {  	s28 =	sand.u32 $0xC00, s2;
	v1 =	vmov s17;
	s24 =	sor.u32 s10, s17;
	s17 =	sand.u32 $0xF000, s18;
	v11 =	vld [tilespmem:s23+$0xD600]  }
0x8b: {  	s18 =	sand.u32 $0x200, s21;
	v3 =	vmov s1;
	v12 =	vld [tilespmem:s24+$0xD000];
	s10 =	sor.u32 s17, s28  }
0x8c: {  	v13 =	vld [tilespmem:s24+$0xD200];
	s0 =	sadd.s32 s18, s10  }
0x8d: {  	v17 =	vld.idx.msk [tilespmem:v2+s0+$0x0 ss:$0x1], $0xffff  }
0x8e: {  	v14 =	vld.idx.msk [tilespmem:v0+s0+$0x0 ss:$0x1], $0xffff  }
0x8f: {  	v15 =	vld.idx.msk [tilespmem:v1+s0+$0x0 ss:$0x1], $0xffff  }
0x90: {  	v18 =	vld.idx.msk [tilespmem:v3+s0+$0x0 ss:$0x1], $0xffff  }
0x91: {  	s19 =	simm.s32 $0x7200;
	v16 =	vld [tilespmem:s24+$0xD600]  }
0x92: {  	s2 =	simm.s32 $0x1C80;
	s1 =	sand.u32 $0xF000, s19;
	v19 =	vld [tilespmem:s23+$0xD400]  }
0x93: {  	v8 =	vld [tilespmem:s25+$0xD600];
	s1 =	sor.u32 s1, s28;
	s10 =	sand.u32 $0x280, s2;
	vm3 =	vgt.f32 v17, v4  }
0x94: {  	s15 =	simm.s32 $0x38;
	v21 =	vld [tilespmem:s24+$0xD400];
	s10 =	sadd.s32 s10, s1;
	vm4 =	vgt.f32 v14, v10;
	vm1 =	vgt.f32 v15, v13;
	vm0 =	vgt.f32 v14, v9  }
0x95: {  	v22 =	vld.idx.msk [tilespmem:v1+s10+$0x0 ss:$0x1], $0xffff;
	vm5 =	vgt.f32 v15, v12;
	v5 =	vsel vm3, s15, v5;
	vm2 =	vgt.f32 v18, v6  }
0x96: {  	s18 =	simm.s32 $0x7400;
	v20 =	vld.idx.msk [tilespmem:v0+s10+$0x0 ss:$0x1], $0xffff;
	v10 =	vsel vm4, v14, v10;
	v16 =	vsel vm1, s15, v16;
	v13 =	vsel vm1, v15, v13  }
0x97: {  	s19 =	simm.s32 $0x1D00;
	s0 =	sand.u32 $0xF000, s18;
	v11 =	vsel vm4, s15, v11;
	v23 =	vsel vm0, v14, v9;
	v24 =	vsel vm0, s15, v19  }
0x98: {  	s1 =	sand.u32 $0x300, s19;
	s0 =	sor.u32 s0, s28;
	v14 =	vsel vm5, v15, v12;
	vm4 =	vgt.f32 v18, v7;
	v10 =	vsel vm0, v9, v10  }
0x99: {  	s1 =	sadd.s32 s1, s0;
	v15 =	vld [tilespmem:s25+$0xD400];
	v12 =	vsel vm5, v12, v13;
	v13 =	vsel vm5, v21, v16;
	v8 =	vsel vm4, s15, v8  }
0x9a: {  	v9 =	vld.idx.msk [tilespmem:v1+s1+$0x0 ss:$0x1], $0xffff;
	vm6 =	vgt.f32 v22, v14;
	v7 =	vsel vm4, v18, v7;
	v21 =	vsel vm5, s15, v21  }
0x9b: {  	v16 =	vld.idx.msk [tilespmem:v3+s10+$0x0 ss:$0x1], $0xffff;
	vm1 =	vgt.f32 v20, v10;
	vm7 =	vgt.f32 v22, v12;
	v7 =	vsel vm2, v6, v7  }
0x9c: {  	s2 =	simm.s32 $0x39;
	s18 =	simm.s32 $0x7600;
	v6 =	vsel vm2, v18, v6;
	v10 =	vsel vm1, v20, v10;
	v12 =	vsel vm7, v22, v12  }
0x9d: {  	s19 =	simm.s32 $0x1D80;
	s0 =	sand.u32 $0xF000, s18;
	v22 =	vsel vm6, v22, v14;
	v13 =	vsel vm7, s2, v13;
	v12 =	vsel vm6, v14, v12  }
0x9e: {  	s18 =	sand.u32 $0x380, s19;
	s0 =	sor.u32 s0, s28;
	v13 =	vsel vm6, v21, v13;
	v14 =	vsel vm6, s2, v21;
	v21 =	vsel vm3, v17, v4  }
0x9f: {  	v25 =	vld.idx.msk [tilespmem:v3+s1+$0x0 ss:$0x1], $0xffff;
	s0 =	sadd.s32 s18, s0;
	v8 =	vsel vm2, v15, v8;
	v15 =	vsel vm2, s15, v15;
	vm4 =	vgt.f32 v9, v12  }
0xa0: {  	s29 =	simm.s32 $0x3A;
	v18 =	vld.idx.msk [tilespmem:v1+s0+$0x0 ss:$0x1], $0xffff;
	vm2 =	vgt.f32 v16, v6;
	vm3 =	vgt.f32 v16, v7;
	v4 =	vsel vm4, v9, v12  }
0xa1: {  	v12 =	vsel vm4, s29, v13;
	v7 =	vsel vm3, v16, v7;
	v8 =	vsel vm3, s2, v8  }
0xa2: {  	vm3 =	vgt.f32 v9, v22;
	v28 =	vsel vm2, v16, v6;
	v7 =	vsel vm2, v6, v7  }
0xa3: {  	v26 =	vld [tilespmem:s26+$0xD400];
	v4 =	vsel vm3, v22, v4;
	v27 =	vsel vm3, s29, v14;
	v8 =	vsel vm2, v15, v8  }
0xa4: {  	v13 =	vld [tilespmem:s26+$0xD000];
	v6 =	vsel vm0, v19, v11;
	vm6 =	vgt.f32 v25, v28;
	vm4 =	vgt.f32 v25, v7  }
0xa5: {  	v30 =	vld.idx.msk [tilespmem:v0+s1+$0x0 ss:$0x1], $0xffff;
	v6 =	vsel vm1, s2, v6;
	vm1 =	vgt.f32 v18, v4;
	v11 =	vsel vm4, v25, v7  }
0xa6: {  	s30 =	simm.s32 $0x3B;
	v7 =	vsel vm3, v9, v22;
	v8 =	vsel vm4, s29, v8;
	v9 =	vsel vm3, v14, v12  }
0xa7: {  	v12 =	vsel vm1, v18, v4;
	vm4 =	vgt.f32 v20, v23;
	v22 =	vsel vm1, s30, v9  }
0xa8: {  	vm1 =	vgt.f32 v18, v7;
	v16 =	vsel vm4, v24, v6;
	v10 =	vsel vm4, v23, v10  }
0xa9: {  	vm0 =	vgt.f32 v17, v13;
	v4 =	vsel vm1, v18, v7;
	v6 =	vsel vm1, v7, v12  }
0xaa: {  	v32 =	vld.idx.msk [tilespmem:v0+s0+$0x0 ss:$0x1], $0xffff;
	v7 =	vsel vm1, v27, v22;
	vm5 =	vgt.f32 v30, v10;
	v14 =	vsel vm0, s15, v26  }
0xab: {  	v26 =	vsel vm0, v26, v5;
	v19 =	vsel vm0, v17, v13;
	v5 =	vsel vm2, s2, v15  }
0xac: {  	v29 =	vld.idx.msk [tilespmem:v2+s10+$0x0 ss:$0x1], $0xffff;
	v10 =	vsel vm5, v30, v10;
	v17 =	vsel vm6, v5, v8;
	v8 =	vsel vm4, v20, v23  }
0xad: {  	v9 =	vsel vm6, s29, v5;
	v5 =	vsel vm1, s30, v27;
	vm1 =	vgt.f32 v30, v8  }
0xae: {  	v18 =	vld.idx.msk [tilespmem:v2+s1+$0x0 ss:$0x1], $0xffff;
	v10 =	vsel vm1, v8, v10  }
0xaf: {  	v22 =	vsel vm6, v28, v11;
	v8 =	vsel vm1, v30, v8;
	vm2 =	vgt.f32 v32, v10  }
0xb0: {  	v31 =	vsel vm0, v13, v21;
	vm0 =	vgt.f32 v32, v8;
	v10 =	vsel vm2, v32, v10  }
0xb1: {  	vm3 =	vgt.f32 v29, v19;
	v12 =	vsel vm0, v8, v10;
	v10 =	vsel vm0, v32, v8;
	v8 =	vld.idx.msk [tilespmem:v3+s0+$0x0 ss:$0x1], $0xffff  }
0xb2: {  	v11 =	vsel vm6, v25, v28;
	v15 =	vsel vm4, s2, v24;
	v21 =	vsel vm3, v29, v19  }
0xb3: {  	vm7 =	vgt.f32 v29, v31;
	v13 =	vsel vm3, s2, v14;
	vm4 =	vgt.f32 v18, v21  }
0xb4: {  	s31 =	simm.s32 $0x7800;
	s10 =	simm.s32 $0x200;
	s1 =	simm.s32 $0x3C;
	v24 =	vsel vm7, v29, v31;
	v23 =	vsel vm7, s2, v26;
	v20 =	vsel vm4, v18, v21  }
.LBB2_7:
0xb5: {  	s15 =	sand.u32 $0xF000, s31  }
0xb6: {  	s18 =	sadd.s32 $0x400, s31;
	s19 =	sadd.s32 $0x1D00, s10;
	v16 =	vsel vm5, s29, v16;
	vm5 =	vgt.f32 v8, v22;
	s17 =	smov.u32 s10  }
0xb7: {  	s2 =	sand.u32 $0x200, s10;
	v19 =	vsel vm3, v19, v24;
	v14 =	vsel vm3, v14, v23;
	s15 =	sor.u32 s15, s28;
	s18 =	sand.u32 $0xF000, s18;
	v23 =	vld.idx.msk [tilespmem:v2+s0+$0x0 ss:$0x1], $0xffff;
	v22 =	vsel vm5, v8, v22  }
0xb8: {  	v24 =	vsel vm1, s29, v15;
	vm3 =	vgt.f32 v8, v11;
	v17 =	vsel vm5, s30, v17;
	s0 =	sadd.s32 s2, s15;
	s2 =	sand.u32 $0x300, s19;
	s15 =	sor.u32 s18, s28  }
0xb9: {  	v26 =	vsel vm3, s30, v9;
	v27 =	vsel vm0, s30, v24;
	s19 =	sadd.s32 $0x200, s31;
	s18 =	sadd.s32 $0x200, s10;
	v22 =	vsel vm3, v11, v22;
	v25 =	vld.idx.msk [tilespmem:v0+s0+$0x0 ss:$0x1], $0xffff;
	s15 =	sadd.s32 s2, s15  }
0xba: {  	p0 =	sne.s32 s10, $0x1400;
	vm5 =	vgt.f32 v18, v19;
	v15 =	vsel vm1, v15, v16;
	v9 =	vsel vm3, v9, v17;
	s2 =	sand.u32 $0xF000, s19;
	s19 =	sadd.s32 $0x1C80, s17;
	v28 =	vld.idx.msk [tilespmem:v1+s0+$0x0 ss:$0x1], $0xffff  }
0xbb: {  	v17 =	vsel vm5, v18, v19;
	v14 =	vsel vm5, s29, v14;
	v18 =	vsel vm2, s30, v15;
	s10 =	sand.u32 $0x280, s19;
	s2 =	sor.u32 s2, s28;
	v16 =	vld.idx.msk [tilespmem:v3+s0+$0x0 ss:$0x1], $0xffff  }
0xbc: {  	v17 =	vsel vm4, v21, v17;
	v14 =	vsel vm4, v13, v14;
	v21 =	vsel vm3, v8, v11;
	v19 =	vld.idx.msk [tilespmem:v2+s0+$0x0 ss:$0x1], $0xffff;
	s0 =	sadd.s32 s10, s2  }
0xbd: {  	v8 =	vsel vm4, s29, v13;
	v13 =	vsel vm0, v24, v18;
	vm1 =	vgt.f32 v23, v17;
	v15 =	vld.idx.msk [tilespmem:v0+s0+$0x0 ss:$0x1], $0xffff  }
0xbe: {  	vm0 =	vgt.f32 v23, v20;
	v17 =	vsel vm1, v23, v17;
	v14 =	vsel vm1, s30, v14;
	v11 =	vld.idx.msk [tilespmem:v2+s0+$0x0 ss:$0x1], $0xffff  }
0xbf: {  	v18 =	vsel vm0, v23, v20;
	v17 =	vsel vm0, v20, v17;
	v14 =	vsel vm0, v8, v14  }
0xc0: {  	s2 =	sadd.s32 $0x600, s31;
	v23 =	vsel vm0, s30, v8;
	vm5 =	vgt.f32 v25, v12;
	vm1 =	vgt.f32 v28, v6;
	v20 =	vld.idx.msk [tilespmem:v1+s0+$0x0 ss:$0x1], $0xffff  }
0xc1: {  	s10 =	sadd.s32 $0x1D80, s17;
	s2 =	sand.u32 $0xF000, s2;
	vm0 =	vgt.f32 v25, v10;
	v8 =	vsel vm5, v25, v12;
	v7 =	vsel vm1, s1, v7;
	v12 =	vld.idx.msk [tilespmem:v0+s15+$0x0 ss:$0x1], $0xffff  }
0xc2: {  	s10 =	sand.u32 $0x380, s10;
	s2 =	sor.u32 s2, s28;
	vm4 =	vgt.f32 v28, v4;
	v8 =	vsel vm0, v10, v8;
	vm2 =	vgt.f32 v19, v17;
	v24 =	vld.idx.msk [tilespmem:v1+s15+$0x0 ss:$0x1], $0xffff  }
0xc3: {  	v6 =	vsel vm1, v28, v6;
	v29 =	vsel vm2, s1, v14;
	vm1 =	vgt.f32 v15, v8;
	v14 =	vld.idx.msk [tilespmem:v3+s0+$0x0 ss:$0x1], $0xffff;
	s0 =	sadd.s32 s10, s2  }
0xc4: {  	v13 =	vsel vm5, s1, v13;
	vm3 =	vgt.f32 v16, v21;
	v10 =	vsel vm0, v25, v10;
	v25 =	vld.idx.msk [tilespmem:v0+s0+$0x0 ss:$0x1], $0xffff  }
0xc5: {  	v30 =	vsel vm0, s1, v27;
	v28 =	vsel vm4, v28, v4;
	v31 =	vsel vm1, v15, v8  }
0xc6: {  	vm5 =	vgt.f32 v16, v22;
	v4 =	vsel vm4, v4, v6;
	v6 =	vsel vm4, v5, v7  }
0xc7: {  	v7 =	vsel vm5, s1, v9;
	vm6 =	vgt.f32 v20, v28;
	vm7 =	vgt.f32 v20, v4  }
0xc8: {  	s17 =	sadd.s32 $0x1, s1;
	v9 =	vsel vm5, v16, v22;
	v4 =	vsel vm7, v20, v4;
	v20 =	vsel vm6, v20, v28  }
0xc9: {  	v5 =	vsel vm4, s1, v5;
	v6 =	vsel vm7, s17, v6;
	v4 =	vsel vm6, v28, v4;
	v28 =	vld.idx.msk [tilespmem:v3+s15+$0x0 ss:$0x1], $0xffff  }
0xca: {  	s29 =	sadd.s32 $0x2, s1;
	v6 =	vsel vm6, v5, v6;
	v5 =	vsel vm6, s17, v5;
	vm4 =	vgt.f32 v24, v4;
	v8 =	vld.idx.msk [tilespmem:v3+s0+$0x0 ss:$0x1], $0xffff  }
0xcb: {  	v17 =	vsel vm2, v19, v17;
	v4 =	vsel vm4, v24, v4;
	v6 =	vsel vm4, s29, v6  }
0xcc: {  	v16 =	vsel vm3, v16, v21;
	v9 =	vsel vm3, v21, v9;
	v7 =	vsel vm3, v26, v7  }
0xcd: {  	v21 =	vsel vm3, s1, v26;
	vm2 =	vgt.f32 v14, v16;
	vm3 =	vgt.f32 v14, v9;
	v22 =	vld.idx.msk [tilespmem:v1+s0+$0x0 ss:$0x1], $0xffff  }
0xce: {  	v9 =	vsel vm3, v14, v9;
	v7 =	vsel vm3, s17, v7;
	vm3 =	vgt.f32 v24, v20  }
0xcf: {  	v9 =	vsel vm2, v16, v9;
	v4 =	vsel vm3, v20, v4;
	v26 =	vsel vm3, s29, v5  }
0xd0: {  	v32 =	vsel vm2, v14, v16;
	v7 =	vsel vm2, v21, v7;
	vm4 =	vgt.f32 v28, v9  }
0xd1: {  	v13 =	vsel vm0, v27, v13;
	v20 =	vsel vm3, v24, v20;
	v27 =	vsel vm4, v28, v9  }
0xd2: {  	vm5 =	vgt.f32 v19, v18;
	v13 =	vsel vm1, s17, v13;
	v24 =	vsel vm4, s29, v7  }
0xd3: {  	s30 =	sadd.s32 $0x3, s1;
	v5 =	vsel vm3, v5, v6;
	vm6 =	vgt.f32 v28, v32;
	vm0 =	vgt.f32 v22, v4  }
0xd4: {  	v14 =	vsel vm5, s1, v23;
	v6 =	vsel vm0, v22, v4;
	v5 =	vsel vm0, s30, v5  }
0xd5: {  	v23 =	vsel vm5, v23, v29;
	vm1 =	vgt.f32 v22, v20;
	vm0 =	vgt.f32 v15, v10  }
0xd6: {  	v19 =	vsel vm5, v19, v18;
	v21 =	vsel vm2, s17, v21;
	v4 =	vsel vm1, v22, v20  }
0xd7: {  	v29 =	vsel vm5, v18, v17;
	vm3 =	vgt.f32 v11, v19;
	v9 =	vsel vm6, s29, v21  }
0xd8: {  	v16 =	vsel vm0, v30, v13;
	v6 =	vsel vm1, v20, v6;
	v7 =	vsel vm1, v26, v5;
	v18 =	vld.idx.msk [tilespmem:v2+s15+$0x0 ss:$0x1], $0xffff  }
0xd9: {  	v17 =	vsel vm6, v21, v24;
	v20 =	vsel vm0, v10, v31;
	v5 =	vsel vm1, s30, v26  }
0xda: {  	v13 =	vsel vm3, s17, v14;
	v10 =	vsel vm0, v15, v10;
	vm5 =	vgt.f32 v12, v20  }
0xdb: {  	v22 =	vsel vm6, v32, v27;
	vm1 =	vgt.f32 v12, v10;
	v15 =	vsel vm5, v12, v20  }
.Ltmp2:
0xdc: {  	vm7 =	vgt.f32 v11, v29;
	v20 =	vsel vm1, v10, v15;
	v10 =	vsel vm1, v12, v10;
	(pc) =	sbr.rel @p0 .LBB2_7-.Ltmp2, $4  }
0xdd: {  	v21 =	vsel vm3, v11, v19;
	v15 =	vsel vm0, s17, v30;
	vm2 =	vgt.f32 v25, v20  }
0xde: {  	vm0 =	vgt.f32 v25, v10;
	v12 =	vsel vm2, v25, v20;
	vm4 =	vgt.f32 v18, v21  }
0xdf: {  	v12 =	vsel vm0, v10, v12;
	v10 =	vsel vm0, v25, v10;
	v20 =	vsel vm4, v18, v21  }
0xe0: {  	s31 =	sadd.s32 $0x800, s31;
	s10 =	smov.u32 s18;
	s1 =	sadd.s32 $0x4, s1;
	v23 =	vsel vm7, s17, v23;
	v24 =	vsel vm7, v11, v29;
	v11 =	vsel vm6, v28, v32  }
0xe1: {  	_ =	sdelay $0x3  }
0xe2: {  	v0 =	vld.idx.msk [tilespmem:v2+s0+$0x0 ss:$0x1], $0xffff  }
0xe3: {  	v1 =	vsel vm3, v19, v24  }
0xe4: {  	vm6 =	vgt.f32 v18, v1  }
0xe5: {  	v1 =	vsel vm6, v18, v1  }
0xe6: {  	v1 =	vsel vm4, v21, v1  }
0xe7: {  	vm7 =	vgt.f32 v0, v1  }
0xe8: {  	vm8 =	vgt.f32 v0, v20;
	v1 =	vsel vm7, v0, v1  }
0xe9: {  	v0 =	vsel vm8, v0, v20;
	v1 =	vsel vm8, v20, v1  }
0xea: {  	vm9 =	vgt.f32 v8, v22;
	v40 =	vadd.f32 v1, v0  }
0xeb: {  	vm10 =	vgt.f32 v8, v11;
	v3 =	vsel vm9, v8, v22  }
0xec: {  	v42 =	vsel vm10, v8, v11;
	v41 =	vsel vm10, v11, v3;
	(erf) = vrcp.f32 v40  }
0xed: {  	v8 =	vadd.f32 v41, v42;
	_ =	sdelay $0x1  }
0xee: {  	(erf) = vrcp.f32 v8;
	_ =	sdelay $0x1  }
0xef: {  	v43 =	vadd.f32 v12, v10;
	_ =	sdelay $0x1  }
0xf0: {  	(erf) = vrcp.f32 v43  }
0xf1: {  	v45 =	vsel vm3, v14, v23  }
0xf2: {  	v48 =	vsel vm4, s29, v13;
	v11 =	vsel vm6, s29, v45;
	v44 =	vpop (erf)  }
0xf3: {  	v47 =	vsel vm4, v13, v11;
	v13 =	vsel vm8, s30, v48;
	v0 =	vmul.f32 v44, v0  }
0xf4: {  	v46 =	vadd.f32 v6, v4;
	[tilespmem:s26+$0xD400] =	vst v13;
	v1 =	vmul.f32 v44, v1  }
0xf5: {  	v49 =	vsel vm7, s30, v47;
	v50 =	vpop (erf);
	[tilespmem:s26+$0xD000] =	vst v0  }
0xf6: {  	(erf) = vrcp.f32 v46;
	v51 =	vmul.f32 v50, v42;
	[tilespmem:s26+$0xD200] =	vst v1;
	v0 =	vsel vm8, v48, v49  }
0xf7: {  	v52 =	vmul.f32 v50, v41;
	[tilespmem:s26+$0xD600] =	vst v0  }
0xf8: {  	[tilespmem:s25+$0xD000] =	vst v51  }
0xf9: {  	v54 =	vsel vm9, s30, v17;
	v55 =	vsel vm10, s30, v9;
	v53 =	vpop (erf);
	[tilespmem:s25+$0xD200] =	vst v52  }
0xfa: {  	v56 =	vsel vm10, v9, v54;
	v57 =	vmul.f32 v53, v10;
	[tilespmem:s25+$0xD400] =	vst v55  }
0xfb: {  	v58 =	vsel vm5, s29, v16;
	v59 =	vmul.f32 v53, v12;
	[tilespmem:s25+$0xD600] =	vst v56  }
0xfc: {  	v60 =	vsel vm1, s29, v15;
	v3 =	vsel vm1, v15, v58;
	[tilespmem:s23+$0xD000] =	vst v57  }
0xfd: {  	s22 =	sadd.s32 $0x1, s22;
	v61 =	vsel vm0, s30, v60;
	v3 =	vsel vm2, s30, v3;
	[tilespmem:s23+$0xD200] =	vst v59  }
0xfe: {  	p0 =	sne.s32 s22, $0x8;
	v1 =	vsel vm0, v60, v3;
	[tilespmem:s23+$0xD400] =	vst v61  }
.Ltmp3:
0xff: {  	[tilespmem:s23+$0xD600] =	vst v1;
	v62 =	vpop (erf);
	(pc) =	sbr.rel @p0 .LBB2_6-.Ltmp3, $4  }
0x100: {  	[tilespmem:s24+$0xD400] =	vst v5;
	v63 =	vmul.f32 v62, v4  }
0x101: {  	[tilespmem:s24+$0xD600] =	vst v7;
	v0 =	vmul.f32 v62, v6  }
0x102: {  	[tilespmem:s24+$0xD000] =	vst v63  }
0x103: {  	[tilespmem:s24+$0xD200] =	vst v0  }
0x104: {  	s0 =	simm.s32 $0xD000  }
0x105: {  	[hbm4b:s5+s13] =	stream.strided.scatter [tilespmem:s0], [sflag:$0x3], $0x200, s14, s13, $0x38;
	[tilespmem:$0xD800] =	vst v63  }
0x106: {  	_ =	swait.ge [sflag:s16], $0x200  }
0x107: {  	[sflag:s16] =	ssyncset.done $0x0  }
0x108: {  	s29 =	simm.s32 $0xD200;
	[sflag:s16] =	ssyncadd.s32 $0xFFFFFE00  }
0x109: {  	[hbm4b:s6+s13] =	stream.strided.scatter [tilespmem:s29], [sflag:$0x3], $0x200, s14, s13, $0x38;
	[tilespmem:$0xD800] =	vst v63  }
0x10a: {  	_ =	swait.ge [sflag:s16], $0x200  }
0x10b: {  	[sflag:s16] =	ssyncset.done $0x0  }
0x10c: {  	s30 =	simm.s32 $0xD400;
	[sflag:s16] =	ssyncadd.s32 $0xFFFFFE00  }
0x10d: {  	[hbm4b:s7+s13] =	stream.strided.scatter [tilespmem:s30], [sflag:$0x3], $0x200, s14, s13, $0x38;
	[tilespmem:$0xD800] =	vst v63  }
0x10e: {  	s20 =	sadd.s32 $0x1, s20;
	_ =	swait.ge [sflag:s16], $0x200  }
0x10f: {  	p0 =	sne.s32 s20, s9;
	[sflag:s16] =	ssyncset.done $0x0  }
.Ltmp4:
0x110: {  	s31 =	simm.s32 $0xD600;
	[sflag:s16] =	ssyncadd.s32 $0xFFFFFE00;
	(pc) =	sbr.rel @p0 .LBB2_1-.Ltmp4, $4  }
0x111: {  	[hbm4b:s8+s13] =	stream.strided.scatter [tilespmem:s31], [sflag:$0x3], $0x200, s14, s13, $0x38;
	[tilespmem:$0xD800] =	vst v63  }
0x112: {  	_ =	swait.ge [sflag:s16], $0x200  }
0x113: {  	[sflag:s16] =	ssyncset.done $0x0  }
0x114: {  	[sflag:s16] =	ssyncadd.s32 $0xFFFFFE00  }
0x115: {  	_ =	sfence.sel $0x180000  }
0x116: {  	[bflag:$0x0] =	sbarrier.arrive $0xFFFF  }
0x117: {  	_ =	strace $0x90000047  }
0x118: {  	s0 =	stileid.u32;
	[bflag:$0x2] =	sbarrier.arrive $0xFFFF  }
0x119: {  	p0 =	sne.s32 s0, $0x0;
	s0 =	rddreg [dreg:$0x3]  }
0x11a: {  	s0 =	sadd.s32 @!p0 $0x100000, s0  }
0x11b: {  	[sflag:s0] =	ssyncadd.tile.s32 @!p0 $0x1;
	_ =	shalt  }
.Lfunc_end2:
_tile_overlayer_lowered:
.L_overlay_start_2:
0x11c: {  	(tag) =	ssettag $0x2  }
0x11d: {  	s0 =	rddreg [dreg:$0x0];
	s2 =	stileid.u32  }
0x11e: {  	s1 =	rddreg [dreg:$0x1];
	p0 =	sne.s32 s2, $0x0  }
0x11f: {  	s3 =	rddreg [dreg:$0x2];
	[bflag:$0x3] =	sbarrier.arrive $0xFFFF;
	s2 =	simm.s32 @!p0 $0x1C03  }
0x120: {  	[timem:s3], [sflag:s2] =	dma.local @!p0 [hbm:s0], s1  }
0x121: {  	s0 =	simm.s32 @!p0 $0x3  }
0x122: {  	_ =	swait.ge @!p0 [sflag:s0], s1  }
0x123: {  	s1 =	ssub.s32 @!p0 $0x0, s1;
	[sflag:s0] =	ssyncset.done @!p0 $0x0  }
0x124: {  	[sflag:s0] =	ssyncadd.s32 @!p0 s1  }
0x125: {  	[bflag:$0x3] =	sbarrier.arrive $0xFFFF  }
0x126: {  	_ =	shalt  }

</sc_bundles>
